<compile_context>
chip_gen: v7x
topology: tpu7x:2x2x1
jax: 0.10.2.dev20260603
libtpu: 0.0.44.dev20260713+nightly
codegen_flags: <defaults>
</compile_context>

<pallas_src>
import dataclasses
import functools

import jax
import jax.numpy as jnp
from jax import lax
from jax.experimental import pallas as pl
from jax.experimental.pallas import tpu as pltpu
from jax.experimental.pallas import tpu_sc as plsc

N_NODES = 10000
N_EDGES = 160000
C = 256
HALF = 128
GAMMA = 0.1
EPS = 0.1

NC = 2
NS = 16
CHUNK = 125
E_PER_SUB = N_EDGES // NS
N_CHUNKS = E_PER_SUB // CHUNK
N_PAD = 10240
STRIPE = N_PAD // NS

_mesh = plsc.VectorSubcoreMesh(core_axis_name="c", subcore_axis_name="s")


D_ROWS = N_CHUNKS // NC

_cp = pltpu.CompilerParams()
if "needs_layout_passes" in pltpu.CompilerParams.__dataclass_fields__:
    _cp = dataclasses.replace(_cp, needs_layout_passes=False)


@functools.partial(
    pl.kernel,
    mesh=_mesh,
    compiler_params=_cp,
    out_type=jax.ShapeDtypeStruct((NC, N_PAD), jnp.float32),
    scratch_types=[
        pltpu.VMEM((D_ROWS, CHUNK), jnp.int32),
        pltpu.VMEM((N_PAD,), jnp.float32),
        pltpu.VMEM((STRIPE,), jnp.float32),
        pltpu.VMEM((STRIPE,), jnp.float32),
        pltpu.VMEM_SHARED((NS, N_PAD), jnp.float32),
    ],
)
def _deg_kernel(e_hbm, out_hbm, col_v, hist, tmp, accs, stage_sh):
    cid = lax.axis_index("c")
    sid = lax.axis_index("s")
    pltpu.sync_copy(e_hbm.at[1, sid, pl.ds(cid * D_ROWS, D_ROWS)], col_v)

    @pl.loop(0, N_PAD // 16)
    def _(i):
        hist[pl.ds(i * 16, 16)] = jnp.zeros((16,), jnp.float32)

    one16 = jnp.ones((16,), jnp.float32)
    tail_mask = lax.iota(jnp.int32, 16) < CHUNK - 112
    tail_cols = jnp.minimum(112 + lax.iota(jnp.int32, 16), CHUNK - 1)

    @pl.loop(0, D_ROWS)
    def _(r):
        @pl.loop(0, 7)
        def _(k):
            plsc.addupdate_scatter(hist, [col_v[r, pl.ds(k * 16, 16)]], one16)

        rows16 = jnp.full((16,), r, jnp.int32)
        tvals = plsc.load_gather(col_v, [rows16, tail_cols])
        plsc.addupdate_scatter(hist, [tvals], one16, mask=tail_mask)

    pltpu.sync_copy(hist, stage_sh.at[sid])
    plsc.subcore_barrier()

    @pl.loop(0, STRIPE // 16)
    def _(t):
        accs[pl.ds(t * 16, 16)] = jnp.zeros((16,), jnp.float32)

    @pl.loop(0, NS)
    def _(k):
        pltpu.sync_copy(stage_sh.at[k, pl.ds(sid * STRIPE, STRIPE)], tmp)

        @pl.loop(0, STRIPE // 16)
        def _(t):
            sl = pl.ds(t * 16, 16)
            accs[sl] = accs[sl] + tmp[sl]

    pltpu.sync_copy(accs, out_hbm.at[cid, pl.ds(sid * STRIPE, STRIPE)])


@functools.partial(
    pl.kernel,
    mesh=_mesh,
    out_type=jax.ShapeDtypeStruct((NC, N_PAD, HALF), jnp.float32),
    scratch_types=[
        pltpu.VMEM((N_CHUNKS, CHUNK), jnp.int32),
        pltpu.VMEM((2, CHUNK), jnp.int32),
        pltpu.VMEM((CHUNK, HALF), jnp.float32),
        pltpu.VMEM((CHUNK, HALF), jnp.float32),
        pltpu.VMEM_SHARED((N_PAD, HALF), jnp.float32),
        pltpu.SemaphoreType.DMA,
        pltpu.SemaphoreType.DMA,
        pltpu.SemaphoreType.DMA,
        pltpu.SemaphoreType.DMA,
        pltpu.SemaphoreType.DMA,
        pltpu.SemaphoreType.DMA,
    ],
)
def _agg_kernel(hs_hbm, e_hbm, out_hbm, row_v, col_v, buf_a, buf_b,
                acc_sh, sem_ga, sem_gb, sem_ca, sem_cb, sem_sa, sem_sb):
    cid = lax.axis_index("c")
    sid = lax.axis_index("s")
    hs_c = hs_hbm.at[cid]
    col_hbm = e_hbm.at[1]
    pltpu.sync_copy(e_hbm.at[0, sid], row_v)

    @pl.when(sid < NS - 1)
    def _():
        pltpu.sync_copy(hs_c.at[pl.ds(sid * STRIPE, STRIPE)],
                        acc_sh.at[pl.ds(sid * STRIPE, STRIPE)])

    @pl.when(sid == NS - 1)
    def _():
        pltpu.sync_copy(
            hs_c.at[pl.ds((NS - 1) * STRIPE, N_NODES - (NS - 1) * STRIPE)],
            acc_sh.at[pl.ds((NS - 1) * STRIPE, N_NODES - (NS - 1) * STRIPE)])

    plsc.subcore_barrier()

    pltpu.async_copy(col_hbm.at[sid, 0], col_v.at[0], sem_ca)
    pltpu.async_copy(col_hbm.at[sid, 1], col_v.at[1], sem_cb)
    pltpu.async_copy(hs_c.at[row_v.at[0]], buf_a, sem_ga)
    pltpu.async_copy(hs_c.at[row_v.at[1]], buf_b, sem_gb)

    @pl.loop(0, N_CHUNKS, step=2)
    def _(j):
        ja = jnp.minimum(j + 2, N_CHUNKS - 1)
        jb = jnp.minimum(j + 3, N_CHUNKS - 1)
        pltpu.make_async_copy(hs_c.at[row_v.at[0]], buf_a, sem_ga).wait()
        pltpu.make_async_copy(col_hbm.at[sid, 0], col_v.at[0], sem_ca).wait()
        pltpu.async_copy(buf_a, acc_sh.at[col_v.at[0]], sem_sa, add=True)
        pltpu.make_async_copy(hs_c.at[row_v.at[0]], buf_b, sem_gb).wait()
        pltpu.make_async_copy(col_hbm.at[sid, 0], col_v.at[1], sem_cb).wait()
        pltpu.async_copy(buf_b, acc_sh.at[col_v.at[1]], sem_sb, add=True)
        pltpu.make_async_copy(buf_a, acc_sh.at[col_v.at[0]], sem_sa).wait()
        pltpu.async_copy(col_hbm.at[sid, ja], col_v.at[0], sem_ca)
        pltpu.async_copy(hs_c.at[row_v.at[ja]], buf_a, sem_ga)
        pltpu.make_async_copy(buf_b, acc_sh.at[col_v.at[1]], sem_sb).wait()
        pltpu.async_copy(col_hbm.at[sid, jb], col_v.at[1], sem_cb)
        pltpu.async_copy(hs_c.at[row_v.at[jb]], buf_b, sem_gb)

    pltpu.make_async_copy(hs_c.at[row_v.at[0]], buf_a, sem_ga).wait()
    pltpu.make_async_copy(hs_c.at[row_v.at[0]], buf_b, sem_gb).wait()
    pltpu.make_async_copy(col_hbm.at[sid, 0], col_v.at[0], sem_ca).wait()
    pltpu.make_async_copy(col_hbm.at[sid, 0], col_v.at[1], sem_cb).wait()

    plsc.subcore_barrier()
    pltpu.sync_copy(
        acc_sh.at[pl.ds(sid * STRIPE, STRIPE)],
        out_hbm.at[cid, pl.ds(sid * STRIPE, STRIPE)],
    )


_BLK = 2000


def _mm_body(x_ref, wphi_ref, h_ref):
    h_ref[...] = jnp.dot(x_ref[...], wphi_ref[...],
                         preferred_element_type=jnp.float32)


def _mm_call(x, wphi):
    return pl.pallas_call(
        _mm_body,
        grid=(N_NODES // _BLK,),
        in_specs=[
            pl.BlockSpec((_BLK, C), lambda i: (i, 0)),
            pl.BlockSpec((C, C), lambda i: (0, 0)),
        ],
        out_specs=pl.BlockSpec((_BLK, C), lambda i: (i, 0)),
        out_shape=jax.ShapeDtypeStruct((N_NODES, C), jnp.float32),
    )(x, wphi)


def _hs_body(h_ref, deg_ref, hs_ref):
    d = deg_ref[:, 0:1] + deg_ref[:, 1:2] + 1.0
    dinv = lax.rsqrt(d)
    h = h_ref[...]
    hs_ref[0] = dinv * h[:, :HALF]
    hs_ref[1] = dinv * h[:, HALF:]


def _hs_call(h, deg2):
    return pl.pallas_call(
        _hs_body,
        grid=(N_NODES // _BLK,),
        in_specs=[
            pl.BlockSpec((_BLK, C), lambda i: (i, 0)),
            pl.BlockSpec((_BLK, NC), lambda i: (i, 0)),
        ],
        out_specs=pl.BlockSpec((NC, _BLK, HALF), lambda i: (0, i, 0)),
        out_shape=jax.ShapeDtypeStruct((NC, N_NODES, HALF), jnp.float32),
    )(h, deg2)


def _fin_body(x_ref, at_ref, b_ref, acc_ref, deg_ref, o_ref):
    xb = x_ref[...]
    d = deg_ref[:, 0:1] + deg_ref[:, 1:2] + 1.0
    dinv = lax.rsqrt(d)
    z = jnp.dot(xb, at_ref[...], preferred_element_type=jnp.float32) + b_ref[...]
    accf = jnp.concatenate([acc_ref[0], acc_ref[1]], axis=-1)
    o_ref[...] = xb + EPS * jnp.tanh(z + dinv * accf)


def _fin_call(x, w, b2, acc, deg2):
    return pl.pallas_call(
        _fin_body,
        grid=(N_NODES // _BLK,),
        in_specs=[
            pl.BlockSpec((_BLK, C), lambda i: (i, 0)),
            pl.BlockSpec((C, C), lambda i: (0, 0)),
            pl.BlockSpec((1, C), lambda i: (0, 0)),
            pl.BlockSpec((NC, _BLK, HALF), lambda i: (0, i, 0)),
            pl.BlockSpec((_BLK, NC), lambda i: (i, 0)),
        ],
        out_specs=pl.BlockSpec((_BLK, C), lambda i: (i, 0)),
        out_shape=jax.ShapeDtypeStruct((N_NODES, C), jnp.float32),
    )(x, w, b2, acc, deg2)


def kernel(x, edge_index, W, b, W_phi):
    e3 = edge_index.astype(jnp.int32).reshape(2, NS, N_CHUNKS, CHUNK)
    a_t = W.T - W - GAMMA * jnp.eye(C, dtype=W.dtype)

    deg2 = _deg_kernel(e3).T
    h = _mm_call(x, W_phi)
    hs2 = _hs_call(h, deg2)
    acc = _agg_kernel(hs2, e3)
    return _fin_call(x, a_t, b.reshape(1, C), acc, deg2)

# --- scband reference (transcript-rebuilt; emitter-appended) ---
"""Pipeline reference for scband-anti-symmetric-conv-5085241278802 (READ-ONLY COPY).

The authoritative reference and input builder live on the scoring server;
editing this copy changes nothing except your own understanding.
"""

import jax, jax.numpy as jnp
import numpy as np

IN_CHANNELS = 256
NUM_NODES = 10000
NUM_EDGES = 160000
NUM_ITERS = 1
EPSILON = 0.1
GAMMA = 0.1


def setup_inputs(seed: int = 0) -> dict:
    key = jax.random.key(seed)
    k1, k2, k3, k4, k5 = jax.random.split(key, 5)
    x = jax.random.normal(k1, (NUM_NODES, IN_CHANNELS), dtype=jnp.float32)
    edge_index = jax.random.randint(k2, (2, NUM_EDGES), 0, NUM_NODES, dtype=jnp.int64)
    # kaiming_uniform_(W, a=sqrt(5)) -> bound = sqrt(6 / ((1 + 5) * fan_in)) = 1/sqrt(fan_in)
    bound = 1.0 / np.sqrt(IN_CHANNELS)
    W = jax.random.uniform(k3, (IN_CHANNELS, IN_CHANNELS), dtype=jnp.float32, minval=-bound, maxval=bound)
    b = jax.random.uniform(k4, (IN_CHANNELS,), dtype=jnp.float32, minval=-bound, maxval=bound)
    # GCNConv weight (glorot), shape [in, out], no bias
    g = np.sqrt(6.0 / (IN_CHANNELS + IN_CHANNELS))
    W_phi = jax.random.uniform(k5, (IN_CHANNELS, IN_CHANNELS), dtype=jnp.float32, minval=-g, maxval=g)
    return {"x": x, "edge_index": edge_index, "W": W, "b": b, "W_phi": W_phi}


def _gcn_conv(x, edge_index, W_phi):
    n = x.shape[0]
    row = edge_index[0]
    col = edge_index[1]
    # add self loops with fill value 1
    loop = jnp.arange(n, dtype=edge_index.dtype)
    row = jnp.concatenate([row, loop])
    col = jnp.concatenate([col, loop])
    w = jnp.ones(row.shape[0], dtype=x.dtype)
    deg = jnp.zeros(n, dtype=x.dtype).at[col].add(w)
    deg_inv_sqrt = jnp.where(deg > 0, jax.lax.rsqrt(jnp.maximum(deg, 1e-12)), 0.0)
    norm = deg_inv_sqrt[row] * w * deg_inv_sqrt[col]
    h = x @ W_phi
    out = jnp.zeros_like(h).at[col].add(norm[:, None] * jnp.take(h, row, axis=0))
    return out


def reference(x, edge_index, W, b, W_phi):
    eye = jnp.eye(IN_CHANNELS, dtype=x.dtype)
    antisymmetric_W = W - W.T - GAMMA * eye
    for _ in range(NUM_ITERS):
        neigh_x = _gcn_conv(x, edge_index, W_phi)
        conv = x @ antisymmetric_W.T + neigh_x + b
        x = x + EPSILON * jnp.tanh(conv)
    return x

if __name__ == "__main__":
    import jax
    _d = setup_inputs()
    print(jax.jit(kernel)(*tuple(_d.values())))

</pallas_src>

<mosaic_0001>
#map = affine_map<(d0, d1) -> (0, 0, 0)>
#map1 = affine_map<(d0, d1) -> (0, 0, 0, 0)>
module attributes {stable_mosaic.version = 14 : i64} {
  func.func @_agg_kernel(%arg0: i32, %arg1: i32, %arg2: memref<2x10000x128xf32, #tpu.memory_space<hbm>>, %arg3: memref<2x16x80x125xi32, #tpu.memory_space<hbm>>, %arg4: memref<2x10240x128xf32, #tpu.memory_space<hbm>>, %arg5: memref<80x125xi32, #tpu.memory_space<vmem>>, %arg6: memref<2x125xi32, #tpu.memory_space<vmem>>, %arg7: memref<125x128xf32, #tpu.memory_space<vmem>>, %arg8: memref<125x128xf32, #tpu.memory_space<vmem>>, %arg9: memref<10240x128xf32, #tpu.memory_space<vmem_shared>>, %arg10: memref<!tpu.dma_semaphore, #tpu.memory_space<semaphore_mem>>, %arg11: memref<!tpu.dma_semaphore, #tpu.memory_space<semaphore_mem>>, %arg12: memref<!tpu.dma_semaphore, #tpu.memory_space<semaphore_mem>>, %arg13: memref<!tpu.dma_semaphore, #tpu.memory_space<semaphore_mem>>, %arg14: memref<!tpu.dma_semaphore, #tpu.memory_space<semaphore_mem>>, %arg15: memref<!tpu.dma_semaphore, #tpu.memory_space<semaphore_mem>>) attributes {dimension_semantics = [#tpu.dimension_semantics<core_parallel>, #tpu.dimension_semantics<subcore_parallel>], iteration_bounds = array<i64: 2, 16>, scalar_prefetch = 0 : i64, scratch_operands = 11 : i64, tpu.core_type = #tpu.core_type<sc_vector_subcore>, window_params = [{transform_indices = #map}, {transform_indices = #map1}, {transform_indices = #map}]} {
    %run_scoped3A = arith.constant 0 : i32
    "tpu.region"() ({
      %run_scoped3A_157 = tpu.sem_alloc : memref<!tpu.dma_semaphore, #tpu.memory_space<semaphore_mem>>
      %dma_start3A_158 = arith.constant 0 : i32
      %dma_start3A_159 = arith.constant 0 : i32
      %dma_start3A_160 = tpu.memref_slice %arg3[%run_scoped3A, %arg1, %dma_start3A_158, %dma_start3A_159] : memref<2x16x80x125xi32, #tpu.memory_space<hbm>> -> memref<1x1x80x125xi32, #tpu.memory_space<hbm>>
      %dma_start3A_161 = tpu.memref_squeeze %dma_start3A_160 : memref<1x1x80x125xi32, #tpu.memory_space<hbm>> -> memref<80x125xi32, #tpu.memory_space<hbm>>
      %dma_start3A_162 = arith.constant 0 : i32
      %dma_start3A_163 = arith.constant 0 : i32
      %dma_start3A_164 = tpu.memref_slice %arg3[%run_scoped3A, %arg1, %dma_start3A_162, %dma_start3A_163] : memref<2x16x80x125xi32, #tpu.memory_space<hbm>> -> memref<1x1x80x125xi32, #tpu.memory_space<hbm>>
      %dma_start3A_165 = tpu.memref_squeeze %dma_start3A_164 : memref<1x1x80x125xi32, #tpu.memory_space<hbm>> -> memref<80x125xi32, #tpu.memory_space<hbm>>
      tpu.enqueue_dma source(%dma_start3A_165 : memref<80x125xi32, #tpu.memory_space<hbm>>) target(%arg5 : memref<80x125xi32, #tpu.memory_space<vmem>>) target_semaphore(%run_scoped3A_157 : memref<!tpu.dma_semaphore, #tpu.memory_space<semaphore_mem>>)
      %dma_wait3A_166 = arith.constant 0 : i32
      %dma_wait3A_167 = arith.constant 0 : i32
      %dma_wait3A_168 = tpu.memref_slice %arg3[%run_scoped3A, %arg1, %dma_wait3A_166, %dma_wait3A_167] : memref<2x16x80x125xi32, #tpu.memory_space<hbm>> -> memref<1x1x80x125xi32, #tpu.memory_space<hbm>>
      %dma_wait3A_169 = tpu.memref_squeeze %dma_wait3A_168 : memref<1x1x80x125xi32, #tpu.memory_space<hbm>> -> memref<80x125xi32, #tpu.memory_space<hbm>>
      %dma_wait3A_170 = arith.constant 0 : i32
      %dma_wait3A_171 = arith.constant 0 : i32
      %dma_wait3A_172 = tpu.memref_slice %arg3[%run_scoped3A, %arg1, %dma_wait3A_170, %dma_wait3A_171] : memref<2x16x80x125xi32, #tpu.memory_space<hbm>> -> memref<1x1x80x125xi32, #tpu.memory_space<hbm>>
      %dma_wait3A_173 = tpu.memref_squeeze %dma_wait3A_172 : memref<1x1x80x125xi32, #tpu.memory_space<hbm>> -> memref<80x125xi32, #tpu.memory_space<hbm>>
      tpu.wait_dma2 semaphore(%run_scoped3A_157 : memref<!tpu.dma_semaphore, #tpu.memory_space<semaphore_mem>>) src(%dma_wait3A_173 : memref<80x125xi32, #tpu.memory_space<hbm>>) dst(%arg5 : memref<80x125xi32, #tpu.memory_space<vmem>>)
      tpu.yield
    }) : () -> ()
    %lt3A = arith.constant 15 : i32
    %lt3A_0 = arith.cmpi slt, %arg1, %lt3A : i32
    %convert_element_type3A = arith.extui %lt3A_0 : i1 to i32
    %cond3A = arith.constant 0 : i32
    %cond3A_1 = arith.cmpi ne, %convert_element_type3A, %cond3A : i32
    scf.if %cond3A_1 {
      %mul3A_157 = arith.constant 640 : i32
      %mul3A_158 = arith.muli %arg1, %mul3A_157 : i32
      %mul3A_159 = arith.constant 640 : i32
      %mul3A_160 = arith.muli %arg1, %mul3A_159 : i32
      "tpu.region"() ({
        %run_scoped3A_161 = tpu.sem_alloc : memref<!tpu.dma_semaphore, #tpu.memory_space<semaphore_mem>>
        %dma_start3A_162 = arith.constant 0 : i32
        %dma_start3A_163 = tpu.memref_slice %arg9[%mul3A_160, %dma_start3A_162] : memref<10240x128xf32, #tpu.memory_space<vmem_shared>> -> memref<640x128xf32, #tpu.memory_space<vmem_shared>>
        %dma_start3A_164 = arith.constant 0 : i32
        %dma_start3A_165 = arith.constant 0 : i32
        %dma_start3A_166 = tpu.memref_slice %arg2[%arg0, %dma_start3A_164, %dma_start3A_165] : memref<2x10000x128xf32, #tpu.memory_space<hbm>> -> memref<1x10000x128xf32, #tpu.memory_space<hbm>>
        %dma_start3A_167 = tpu.memref_squeeze %dma_start3A_166 : memref<1x10000x128xf32, #tpu.memory_space<hbm>> -> memref<10000x128xf32, #tpu.memory_space<hbm>>
        %dma_start3A_168 = arith.constant 0 : i32
        %dma_start3A_169 = tpu.memref_slice %dma_start3A_167[%mul3A_158, %dma_start3A_168] : memref<10000x128xf32, #tpu.memory_space<hbm>> -> memref<640x128xf32, #tpu.memory_space<hbm>>
        tpu.enqueue_dma source(%dma_start3A_169 : memref<640x128xf32, #tpu.memory_space<hbm>>) target(%dma_start3A_163 : memref<640x128xf32, #tpu.memory_space<vmem_shared>>) target_semaphore(%run_scoped3A_161 : memref<!tpu.dma_semaphore, #tpu.memory_space<semaphore_mem>>)
        %dma_wait3A_170 = arith.constant 0 : i32
        %dma_wait3A_171 = tpu.memref_slice %arg9[%mul3A_160, %dma_wait3A_170] : memref<10240x128xf32, #tpu.memory_space<vmem_shared>> -> memref<640x128xf32, #tpu.memory_space<vmem_shared>>
        %dma_wait3A_172 = arith.constant 0 : i32
        %dma_wait3A_173 = arith.constant 0 : i32
        %dma_wait3A_174 = tpu.memref_slice %arg2[%arg0, %dma_wait3A_172, %dma_wait3A_173] : memref<2x10000x128xf32, #tpu.memory_space<hbm>> -> memref<1x10000x128xf32, #tpu.memory_space<hbm>>
        %dma_wait3A_175 = tpu.memref_squeeze %dma_wait3A_174 : memref<1x10000x128xf32, #tpu.memory_space<hbm>> -> memref<10000x128xf32, #tpu.memory_space<hbm>>
        %dma_wait3A_176 = arith.constant 0 : i32
        %dma_wait3A_177 = tpu.memref_slice %dma_wait3A_175[%mul3A_158, %dma_wait3A_176] : memref<10000x128xf32, #tpu.memory_space<hbm>> -> memref<640x128xf32, #tpu.memory_space<hbm>>
        tpu.wait_dma2 semaphore(%run_scoped3A_161 : memref<!tpu.dma_semaphore, #tpu.memory_space<semaphore_mem>>) src(%dma_wait3A_177 : memref<640x128xf32, #tpu.memory_space<hbm>>) dst(%dma_wait3A_171 : memref<640x128xf32, #tpu.memory_space<vmem_shared>>)
        tpu.yield
      }) : () -> ()
    } else {
    }
    %eq3A = arith.constant 15 : i32
    %eq3A_2 = arith.cmpi eq, %arg1, %eq3A : i32
    %convert_element_type3A_3 = arith.extui %eq3A_2 : i1 to i32
    %cond3A_4 = arith.constant 0 : i32
    %cond3A_5 = arith.cmpi ne, %convert_element_type3A_3, %cond3A_4 : i32
    scf.if %cond3A_5 {
      "tpu.region"() ({
        %run_scoped3A_157 = tpu.sem_alloc : memref<!tpu.dma_semaphore, #tpu.memory_space<semaphore_mem>>
        %dma_start3A_158 = arith.constant 9600 : i32
        %dma_start3A_159 = arith.constant 0 : i32
        %dma_start3A_160 = tpu.memref_slice %arg9[%dma_start3A_158, %dma_start3A_159] : memref<10240x128xf32, #tpu.memory_space<vmem_shared>> -> memref<400x128xf32, #tpu.memory_space<vmem_shared>>
        %dma_start3A_161 = arith.constant 0 : i32
        %dma_start3A_162 = arith.constant 0 : i32
        %dma_start3A_163 = tpu.memref_slice %arg2[%arg0, %dma_start3A_161, %dma_start3A_162] : memref<2x10000x128xf32, #tpu.memory_space<hbm>> -> memref<1x10000x128xf32, #tpu.memory_space<hbm>>
        %dma_start3A_164 = tpu.memref_squeeze %dma_start3A_163 : memref<1x10000x128xf32, #tpu.memory_space<hbm>> -> memref<10000x128xf32, #tpu.memory_space<hbm>>
        %dma_start3A_165 = arith.constant 9600 : i32
        %dma_start3A_166 = arith.constant 0 : i32
        %dma_start3A_167 = tpu.memref_slice %dma_start3A_164[%dma_start3A_165, %dma_start3A_166] : memref<10000x128xf32, #tpu.memory_space<hbm>> -> memref<400x128xf32, #tpu.memory_space<hbm>>
        tpu.enqueue_dma source(%dma_start3A_167 : memref<400x128xf32, #tpu.memory_space<hbm>>) target(%dma_start3A_160 : memref<400x128xf32, #tpu.memory_space<vmem_shared>>) target_semaphore(%run_scoped3A_157 : memref<!tpu.dma_semaphore, #tpu.memory_space<semaphore_mem>>)
        %dma_wait3A_168 = arith.constant 9600 : i32
        %dma_wait3A_169 = arith.constant 0 : i32
        %dma_wait3A_170 = tpu.memref_slice %arg9[%dma_wait3A_168, %dma_wait3A_169] : memref<10240x128xf32, #tpu.memory_space<vmem_shared>> -> memref<400x128xf32, #tpu.memory_space<vmem_shared>>
        %dma_wait3A_171 = arith.constant 0 : i32
        %dma_wait3A_172 = arith.constant 0 : i32
        %dma_wait3A_173 = tpu.memref_slice %arg2[%arg0, %dma_wait3A_171, %dma_wait3A_172] : memref<2x10000x128xf32, #tpu.memory_space<hbm>> -> memref<1x10000x128xf32, #tpu.memory_space<hbm>>
        %dma_wait3A_174 = tpu.memref_squeeze %dma_wait3A_173 : memref<1x10000x128xf32, #tpu.memory_space<hbm>> -> memref<10000x128xf32, #tpu.memory_space<hbm>>
        %dma_wait3A_175 = arith.constant 9600 : i32
        %dma_wait3A_176 = arith.constant 0 : i32
        %dma_wait3A_177 = tpu.memref_slice %dma_wait3A_174[%dma_wait3A_175, %dma_wait3A_176] : memref<10000x128xf32, #tpu.memory_space<hbm>> -> memref<400x128xf32, #tpu.memory_space<hbm>>
        tpu.wait_dma2 semaphore(%run_scoped3A_157 : memref<!tpu.dma_semaphore, #tpu.memory_space<semaphore_mem>>) src(%dma_wait3A_177 : memref<400x128xf32, #tpu.memory_space<hbm>>) dst(%dma_wait3A_170 : memref<400x128xf32, #tpu.memory_space<vmem_shared>>)
        tpu.yield
      }) : () -> ()
    } else {
    }
    %barrier3A = arith.constant 0 : index
    tpu.barrier barrier_id(%barrier3A)
    %dma_start3A = arith.constant 1 : i32
    %dma_start3A_6 = arith.constant 0 : i32
    %dma_start3A_7 = arith.constant 0 : i32
    %dma_start3A_8 = arith.constant 0 : i32
    %dma_start3A_9 = tpu.memref_slice %arg6[%dma_start3A_7, %dma_start3A_8] : memref<2x125xi32, #tpu.memory_space<vmem>> -> memref<1x125xi32, #tpu.memory_space<vmem>>
    %dma_start3A_10 = tpu.memref_squeeze %dma_start3A_9 : memref<1x125xi32, #tpu.memory_space<vmem>> -> memref<125xi32, #tpu.memory_space<vmem>>
    %dma_start3A_11 = arith.constant 0 : i32
    %dma_start3A_12 = arith.constant 0 : i32
    %dma_start3A_13 = arith.constant 0 : i32
    %dma_start3A_14 = tpu.memref_slice %arg3[%dma_start3A, %dma_start3A_11, %dma_start3A_12, %dma_start3A_13] : memref<2x16x80x125xi32, #tpu.memory_space<hbm>> -> memref<1x16x80x125xi32, #tpu.memory_space<hbm>>
    %dma_start3A_15 = tpu.memref_squeeze %dma_start3A_14 : memref<1x16x80x125xi32, #tpu.memory_space<hbm>> -> memref<16x80x125xi32, #tpu.memory_space<hbm>>
    %dma_start3A_16 = arith.constant 0 : i32
    %dma_start3A_17 = tpu.memref_slice %dma_start3A_15[%arg1, %dma_start3A_6, %dma_start3A_16] : memref<16x80x125xi32, #tpu.memory_space<hbm>> -> memref<1x1x125xi32, #tpu.memory_space<hbm>>
    %dma_start3A_18 = tpu.memref_squeeze %dma_start3A_17 : memref<1x1x125xi32, #tpu.memory_space<hbm>> -> memref<125xi32, #tpu.memory_space<hbm>>
    %dma_start3A_19 = arith.constant 0 : i32
    %dma_start3A_20 = tpu.memref_slice %arg6[%dma_start3A_7, %dma_start3A_19] : memref<2x125xi32, #tpu.memory_space<vmem>> -> memref<1x125xi32, #tpu.memory_space<vmem>>
    %dma_start3A_21 = tpu.memref_squeeze %dma_start3A_20 : memref<1x125xi32, #tpu.memory_space<vmem>> -> memref<125xi32, #tpu.memory_space<vmem>>
    %dma_start3A_22 = arith.constant 0 : i32
    %dma_start3A_23 = arith.constant 0 : i32
    %dma_start3A_24 = arith.constant 0 : i32
    %dma_start3A_25 = tpu.memref_slice %arg3[%dma_start3A, %dma_start3A_22, %dma_start3A_23, %dma_start3A_24] : memref<2x16x80x125xi32, #tpu.memory_space<hbm>> -> memref<1x16x80x125xi32, #tpu.memory_space<hbm>>
    %dma_start3A_26 = tpu.memref_squeeze %dma_start3A_25 : memref<1x16x80x125xi32, #tpu.memory_space<hbm>> -> memref<16x80x125xi32, #tpu.memory_space<hbm>>
    %dma_start3A_27 = arith.constant 0 : i32
    %dma_start3A_28 = tpu.memref_slice %dma_start3A_26[%arg1, %dma_start3A_6, %dma_start3A_27] : memref<16x80x125xi32, #tpu.memory_space<hbm>> -> memref<1x1x125xi32, #tpu.memory_space<hbm>>
    %dma_start3A_29 = tpu.memref_squeeze %dma_start3A_28 : memref<1x1x125xi32, #tpu.memory_space<hbm>> -> memref<125xi32, #tpu.memory_space<hbm>>
    tpu.enqueue_dma source(%dma_start3A_29 : memref<125xi32, #tpu.memory_space<hbm>>) target(%dma_start3A_21 : memref<125xi32, #tpu.memory_space<vmem>>) target_semaphore(%arg12 : memref<!tpu.dma_semaphore, #tpu.memory_space<semaphore_mem>>)
    %dma_start3A_30 = arith.constant 1 : i32
    %dma_start3A_31 = arith.constant 1 : i32
    %dma_start3A_32 = arith.constant 1 : i32
    %dma_start3A_33 = arith.constant 0 : i32
    %dma_start3A_34 = tpu.memref_slice %arg6[%dma_start3A_32, %dma_start3A_33] : memref<2x125xi32, #tpu.memory_space<vmem>> -> memref<1x125xi32, #tpu.memory_space<vmem>>
    %dma_start3A_35 = tpu.memref_squeeze %dma_start3A_34 : memref<1x125xi32, #tpu.memory_space<vmem>> -> memref<125xi32, #tpu.memory_space<vmem>>
    %dma_start3A_36 = arith.constant 0 : i32
    %dma_start3A_37 = arith.constant 0 : i32
    %dma_start3A_38 = arith.constant 0 : i32
    %dma_start3A_39 = tpu.memref_slice %arg3[%dma_start3A_30, %dma_start3A_36, %dma_start3A_37, %dma_start3A_38] : memref<2x16x80x125xi32, #tpu.memory_space<hbm>> -> memref<1x16x80x125xi32, #tpu.memory_space<hbm>>
    %dma_start3A_40 = tpu.memref_squeeze %dma_start3A_39 : memref<1x16x80x125xi32, #tpu.memory_space<hbm>> -> memref<16x80x125xi32, #tpu.memory_space<hbm>>
    %dma_start3A_41 = arith.constant 0 : i32
    %dma_start3A_42 = tpu.memref_slice %dma_start3A_40[%arg1, %dma_start3A_31, %dma_start3A_41] : memref<16x80x125xi32, #tpu.memory_space<hbm>> -> memref<1x1x125xi32, #tpu.memory_space<hbm>>
    %dma_start3A_43 = tpu.memref_squeeze %dma_start3A_42 : memref<1x1x125xi32, #tpu.memory_space<hbm>> -> memref<125xi32, #tpu.memory_space<hbm>>
    %dma_start3A_44 = arith.constant 0 : i32
    %dma_start3A_45 = tpu.memref_slice %arg6[%dma_start3A_32, %dma_start3A_44] : memref<2x125xi32, #tpu.memory_space<vmem>> -> memref<1x125xi32, #tpu.memory_space<vmem>>
    %dma_start3A_46 = tpu.memref_squeeze %dma_start3A_45 : memref<1x125xi32, #tpu.memory_space<vmem>> -> memref<125xi32, #tpu.memory_space<vmem>>
    %dma_start3A_47 = arith.constant 0 : i32
    %dma_start3A_48 = arith.constant 0 : i32
    %dma_start3A_49 = arith.constant 0 : i32
    %dma_start3A_50 = tpu.memref_slice %arg3[%dma_start3A_30, %dma_start3A_47, %dma_start3A_48, %dma_start3A_49] : memref<2x16x80x125xi32, #tpu.memory_space<hbm>> -> memref<1x16x80x125xi32, #tpu.memory_space<hbm>>
    %dma_start3A_51 = tpu.memref_squeeze %dma_start3A_50 : memref<1x16x80x125xi32, #tpu.memory_space<hbm>> -> memref<16x80x125xi32, #tpu.memory_space<hbm>>
    %dma_start3A_52 = arith.constant 0 : i32
    %dma_start3A_53 = tpu.memref_slice %dma_start3A_51[%arg1, %dma_start3A_31, %dma_start3A_52] : memref<16x80x125xi32, #tpu.memory_space<hbm>> -> memref<1x1x125xi32, #tpu.memory_space<hbm>>
    %dma_start3A_54 = tpu.memref_squeeze %dma_start3A_53 : memref<1x1x125xi32, #tpu.memory_space<hbm>> -> memref<125xi32, #tpu.memory_space<hbm>>
    tpu.enqueue_dma source(%dma_start3A_54 : memref<125xi32, #tpu.memory_space<hbm>>) target(%dma_start3A_46 : memref<125xi32, #tpu.memory_space<vmem>>) target_semaphore(%arg13 : memref<!tpu.dma_semaphore, #tpu.memory_space<semaphore_mem>>)
    %dma_start3A_55 = arith.constant 0 : i32
    %dma_start3A_56 = arith.constant 0 : i32
    %dma_start3A_57 = tpu.memref_slice %arg5[%dma_start3A_55, %dma_start3A_56] : memref<80x125xi32, #tpu.memory_space<vmem>> -> memref<1x125xi32, #tpu.memory_space<vmem>>
    %dma_start3A_58 = tpu.memref_squeeze %dma_start3A_57 : memref<1x125xi32, #tpu.memory_space<vmem>> -> memref<125xi32, #tpu.memory_space<vmem>>
    %dma_start3A_59 = arith.constant 0 : i32
    %dma_start3A_60 = arith.constant 0 : i32
    %dma_start3A_61 = tpu.memref_slice %arg2[%arg0, %dma_start3A_59, %dma_start3A_60] : memref<2x10000x128xf32, #tpu.memory_space<hbm>> -> memref<1x10000x128xf32, #tpu.memory_space<hbm>>
    %dma_start3A_62 = tpu.memref_squeeze %dma_start3A_61 : memref<1x10000x128xf32, #tpu.memory_space<hbm>> -> memref<10000x128xf32, #tpu.memory_space<hbm>>
    %dma_start3A_63 = arith.constant 0 : i32
    %dma_start3A_64 = arith.constant 0 : i32
    %dma_start3A_65 = tpu.memref_slice %dma_start3A_62[%dma_start3A_63, %dma_start3A_64] : memref<10000x128xf32, #tpu.memory_space<hbm>> -> memref<10000x128xf32, #tpu.memory_space<hbm>>
    tpu.enqueue_indirect_dma source(%dma_start3A_65 : memref<10000x128xf32, #tpu.memory_space<hbm>>) target(%arg7 : memref<125x128xf32, #tpu.memory_space<vmem>>) offsets(%dma_start3A_58 : memref<125xi32, #tpu.memory_space<vmem>>) semaphore(%arg10 : memref<!tpu.dma_semaphore, #tpu.memory_space<semaphore_mem>>)
    %dma_start3A_66 = arith.constant 1 : i32
    %dma_start3A_67 = arith.constant 0 : i32
    %dma_start3A_68 = tpu.memref_slice %arg5[%dma_start3A_66, %dma_start3A_67] : memref<80x125xi32, #tpu.memory_space<vmem>> -> memref<1x125xi32, #tpu.memory_space<vmem>>
    %dma_start3A_69 = tpu.memref_squeeze %dma_start3A_68 : memref<1x125xi32, #tpu.memory_space<vmem>> -> memref<125xi32, #tpu.memory_space<vmem>>
    %dma_start3A_70 = arith.constant 0 : i32
    %dma_start3A_71 = arith.constant 0 : i32
    %dma_start3A_72 = tpu.memref_slice %arg2[%arg0, %dma_start3A_70, %dma_start3A_71] : memref<2x10000x128xf32, #tpu.memory_space<hbm>> -> memref<1x10000x128xf32, #tpu.memory_space<hbm>>
    %dma_start3A_73 = tpu.memref_squeeze %dma_start3A_72 : memref<1x10000x128xf32, #tpu.memory_space<hbm>> -> memref<10000x128xf32, #tpu.memory_space<hbm>>
    %dma_start3A_74 = arith.constant 0 : i32
    %dma_start3A_75 = arith.constant 0 : i32
    %dma_start3A_76 = tpu.memref_slice %dma_start3A_73[%dma_start3A_74, %dma_start3A_75] : memref<10000x128xf32, #tpu.memory_space<hbm>> -> memref<10000x128xf32, #tpu.memory_space<hbm>>
    tpu.enqueue_indirect_dma source(%dma_start3A_76 : memref<10000x128xf32, #tpu.memory_space<hbm>>) target(%arg8 : memref<125x128xf32, #tpu.memory_space<vmem>>) offsets(%dma_start3A_69 : memref<125xi32, #tpu.memory_space<vmem>>) semaphore(%arg11 : memref<!tpu.dma_semaphore, #tpu.memory_space<semaphore_mem>>)
    %scan3A = arith.constant 1 : i32
    %scan3A_77 = arith.constant 0 : i32
    %scan3A_78 = arith.constant 40 : i32
    %scan3A_79 = arith.addi %scan3A_77, %scan3A_78 : i32
    %scan3A_80 = arith.constant 1 : i32
    scf.for %scan3A_157 = %scan3A_77 to %scan3A_79 step %scan3A_80  : i32 {
      %mul3A_158 = arith.constant 2 : i32
      %mul3A_159 = arith.muli %scan3A_157, %mul3A_158 : i32
      %add3A = arith.constant 0 : i32
      %add3A_160 = arith.addi %add3A, %mul3A_159 : i32
      %add3A_161 = arith.constant 2 : i32
      %add3A_162 = arith.addi %add3A_160, %add3A_161 : i32
      %min3A = arith.constant 79 : i32
      %min3A_163 = arith.minsi %add3A_162, %min3A : i32
      %add3A_164 = arith.constant 3 : i32
      %add3A_165 = arith.addi %add3A_160, %add3A_164 : i32
      %min3A_166 = arith.constant 79 : i32
      %min3A_167 = arith.minsi %add3A_165, %min3A_166 : i32
      %dma_wait3A_168 = arith.constant 0 : i32
      %dma_wait3A_169 = arith.constant 0 : i32
      %dma_wait3A_170 = tpu.memref_slice %arg5[%dma_wait3A_168, %dma_wait3A_169] : memref<80x125xi32, #tpu.memory_space<vmem>> -> memref<1x125xi32, #tpu.memory_space<vmem>>
      %dma_wait3A_171 = tpu.memref_squeeze %dma_wait3A_170 : memref<1x125xi32, #tpu.memory_space<vmem>> -> memref<125xi32, #tpu.memory_space<vmem>>
      %dma_wait3A_172 = arith.constant 0 : i32
      %dma_wait3A_173 = arith.constant 0 : i32
      %dma_wait3A_174 = tpu.memref_slice %arg2[%arg0, %dma_wait3A_172, %dma_wait3A_173] : memref<2x10000x128xf32, #tpu.memory_space<hbm>> -> memref<1x10000x128xf32, #tpu.memory_space<hbm>>
      %dma_wait3A_175 = tpu.memref_squeeze %dma_wait3A_174 : memref<1x10000x128xf32, #tpu.memory_space<hbm>> -> memref<10000x128xf32, #tpu.memory_space<hbm>>
      %dma_wait3A_176 = arith.constant 0 : i32
      %dma_wait3A_177 = arith.constant 0 : i32
      %dma_wait3A_178 = tpu.memref_slice %dma_wait3A_175[%dma_wait3A_176, %dma_wait3A_177] : memref<10000x128xf32, #tpu.memory_space<hbm>> -> memref<10000x128xf32, #tpu.memory_space<hbm>>
      tpu.wait_indirect_dma semaphore(%arg10 : memref<!tpu.dma_semaphore, #tpu.memory_space<semaphore_mem>>) src(%dma_wait3A_178 : memref<10000x128xf32, #tpu.memory_space<hbm>>) dst(%arg7 : memref<125x128xf32, #tpu.memory_space<vmem>>)
      %dma_wait3A_179 = arith.constant 0 : i32
      %dma_wait3A_180 = arith.constant 0 : i32
      %dma_wait3A_181 = arith.constant 0 : i32
      %dma_wait3A_182 = tpu.memref_slice %arg6[%dma_wait3A_180, %dma_wait3A_181] : memref<2x125xi32, #tpu.memory_space<vmem>> -> memref<1x125xi32, #tpu.memory_space<vmem>>
      %dma_wait3A_183 = tpu.memref_squeeze %dma_wait3A_182 : memref<1x125xi32, #tpu.memory_space<vmem>> -> memref<125xi32, #tpu.memory_space<vmem>>
      %dma_wait3A_184 = arith.constant 0 : i32
      %dma_wait3A_185 = arith.constant 0 : i32
      %dma_wait3A_186 = arith.constant 0 : i32
      %dma_wait3A_187 = tpu.memref_slice %arg3[%scan3A, %dma_wait3A_184, %dma_wait3A_185, %dma_wait3A_186] : memref<2x16x80x125xi32, #tpu.memory_space<hbm>> -> memref<1x16x80x125xi32, #tpu.memory_space<hbm>>
      %dma_wait3A_188 = tpu.memref_squeeze %dma_wait3A_187 : memref<1x16x80x125xi32, #tpu.memory_space<hbm>> -> memref<16x80x125xi32, #tpu.memory_space<hbm>>
      %dma_wait3A_189 = arith.constant 0 : i32
      %dma_wait3A_190 = tpu.memref_slice %dma_wait3A_188[%arg1, %dma_wait3A_179, %dma_wait3A_189] : memref<16x80x125xi32, #tpu.memory_space<hbm>> -> memref<1x1x125xi32, #tpu.memory_space<hbm>>
      %dma_wait3A_191 = tpu.memref_squeeze %dma_wait3A_190 : memref<1x1x125xi32, #tpu.memory_space<hbm>> -> memref<125xi32, #tpu.memory_space<hbm>>
      %dma_wait3A_192 = arith.constant 0 : i32
      %dma_wait3A_193 = tpu.memref_slice %arg6[%dma_wait3A_180, %dma_wait3A_192] : memref<2x125xi32, #tpu.memory_space<vmem>> -> memref<1x125xi32, #tpu.memory_space<vmem>>
      %dma_wait3A_194 = tpu.memref_squeeze %dma_wait3A_193 : memref<1x125xi32, #tpu.memory_space<vmem>> -> memref<125xi32, #tpu.memory_space<vmem>>
      %dma_wait3A_195 = arith.constant 0 : i32
      %dma_wait3A_196 = arith.constant 0 : i32
      %dma_wait3A_197 = arith.constant 0 : i32
      %dma_wait3A_198 = tpu.memref_slice %arg3[%scan3A, %dma_wait3A_195, %dma_wait3A_196, %dma_wait3A_197] : memref<2x16x80x125xi32, #tpu.memory_space<hbm>> -> memref<1x16x80x125xi32, #tpu.memory_space<hbm>>
      %dma_wait3A_199 = tpu.memref_squeeze %dma_wait3A_198 : memref<1x16x80x125xi32, #tpu.memory_space<hbm>> -> memref<16x80x125xi32, #tpu.memory_space<hbm>>
      %dma_wait3A_200 = arith.constant 0 : i32
      %dma_wait3A_201 = tpu.memref_slice %dma_wait3A_199[%arg1, %dma_wait3A_179, %dma_wait3A_200] : memref<16x80x125xi32, #tpu.memory_space<hbm>> -> memref<1x1x125xi32, #tpu.memory_space<hbm>>
      %dma_wait3A_202 = tpu.memref_squeeze %dma_wait3A_201 : memref<1x1x125xi32, #tpu.memory_space<hbm>> -> memref<125xi32, #tpu.memory_space<hbm>>
      tpu.wait_dma2 semaphore(%arg12 : memref<!tpu.dma_semaphore, #tpu.memory_space<semaphore_mem>>) src(%dma_wait3A_202 : memref<125xi32, #tpu.memory_space<hbm>>) dst(%dma_wait3A_194 : memref<125xi32, #tpu.memory_space<vmem>>)
      %dma_start3A_203 = arith.constant 0 : i32
      %dma_start3A_204 = arith.constant 0 : i32
      %dma_start3A_205 = tpu.memref_slice %arg6[%dma_start3A_203, %dma_start3A_204] : memref<2x125xi32, #tpu.memory_space<vmem>> -> memref<1x125xi32, #tpu.memory_space<vmem>>
      %dma_start3A_206 = tpu.memref_squeeze %dma_start3A_205 : memref<1x125xi32, #tpu.memory_space<vmem>> -> memref<125xi32, #tpu.memory_space<vmem>>
      %dma_start3A_207 = arith.constant 0 : i32
      %dma_start3A_208 = arith.constant 0 : i32
      %dma_start3A_209 = tpu.memref_slice %arg9[%dma_start3A_207, %dma_start3A_208] : memref<10240x128xf32, #tpu.memory_space<vmem_shared>> -> memref<10240x128xf32, #tpu.memory_space<vmem_shared>>
      tpu.enqueue_indirect_dma source(%arg7 : memref<125x128xf32, #tpu.memory_space<vmem>>) target(%dma_start3A_209 : memref<10240x128xf32, #tpu.memory_space<vmem_shared>>) offsets(%dma_start3A_206 : memref<125xi32, #tpu.memory_space<vmem>>) semaphore(%arg14 : memref<!tpu.dma_semaphore, #tpu.memory_space<semaphore_mem>>) {add = true}
      %dma_wait3A_210 = arith.constant 0 : i32
      %dma_wait3A_211 = arith.constant 0 : i32
      %dma_wait3A_212 = tpu.memref_slice %arg5[%dma_wait3A_210, %dma_wait3A_211] : memref<80x125xi32, #tpu.memory_space<vmem>> -> memref<1x125xi32, #tpu.memory_space<vmem>>
      %dma_wait3A_213 = tpu.memref_squeeze %dma_wait3A_212 : memref<1x125xi32, #tpu.memory_space<vmem>> -> memref<125xi32, #tpu.memory_space<vmem>>
      %dma_wait3A_214 = arith.constant 0 : i32
      %dma_wait3A_215 = arith.constant 0 : i32
      %dma_wait3A_216 = tpu.memref_slice %arg2[%arg0, %dma_wait3A_214, %dma_wait3A_215] : memref<2x10000x128xf32, #tpu.memory_space<hbm>> -> memref<1x10000x128xf32, #tpu.memory_space<hbm>>
      %dma_wait3A_217 = tpu.memref_squeeze %dma_wait3A_216 : memref<1x10000x128xf32, #tpu.memory_space<hbm>> -> memref<10000x128xf32, #tpu.memory_space<hbm>>
      %dma_wait3A_218 = arith.constant 0 : i32
      %dma_wait3A_219 = arith.constant 0 : i32
      %dma_wait3A_220 = tpu.memref_slice %dma_wait3A_217[%dma_wait3A_218, %dma_wait3A_219] : memref<10000x128xf32, #tpu.memory_space<hbm>> -> memref<10000x128xf32, #tpu.memory_space<hbm>>
      tpu.wait_indirect_dma semaphore(%arg11 : memref<!tpu.dma_semaphore, #tpu.memory_space<semaphore_mem>>) src(%dma_wait3A_220 : memref<10000x128xf32, #tpu.memory_space<hbm>>) dst(%arg8 : memref<125x128xf32, #tpu.memory_space<vmem>>)
      %dma_wait3A_221 = arith.constant 0 : i32
      %dma_wait3A_222 = arith.constant 1 : i32
      %dma_wait3A_223 = arith.constant 0 : i32
      %dma_wait3A_224 = tpu.memref_slice %arg6[%dma_wait3A_222, %dma_wait3A_223] : memref<2x125xi32, #tpu.memory_space<vmem>> -> memref<1x125xi32, #tpu.memory_space<vmem>>
      %dma_wait3A_225 = tpu.memref_squeeze %dma_wait3A_224 : memref<1x125xi32, #tpu.memory_space<vmem>> -> memref<125xi32, #tpu.memory_space<vmem>>
      %dma_wait3A_226 = arith.constant 0 : i32
      %dma_wait3A_227 = arith.constant 0 : i32
      %dma_wait3A_228 = arith.constant 0 : i32
      %dma_wait3A_229 = tpu.memref_slice %arg3[%scan3A, %dma_wait3A_226, %dma_wait3A_227, %dma_wait3A_228] : memref<2x16x80x125xi32, #tpu.memory_space<hbm>> -> memref<1x16x80x125xi32, #tpu.memory_space<hbm>>
      %dma_wait3A_230 = tpu.memref_squeeze %dma_wait3A_229 : memref<1x16x80x125xi32, #tpu.memory_space<hbm>> -> memref<16x80x125xi32, #tpu.memory_space<hbm>>
      %dma_wait3A_231 = arith.constant 0 : i32
      %dma_wait3A_232 = tpu.memref_slice %dma_wait3A_230[%arg1, %dma_wait3A_221, %dma_wait3A_231] : memref<16x80x125xi32, #tpu.memory_space<hbm>> -> memref<1x1x125xi32, #tpu.memory_space<hbm>>
      %dma_wait3A_233 = tpu.memref_squeeze %dma_wait3A_232 : memref<1x1x125xi32, #tpu.memory_space<hbm>> -> memref<125xi32, #tpu.memory_space<hbm>>
      %dma_wait3A_234 = arith.constant 0 : i32
      %dma_wait3A_235 = tpu.memref_slice %arg6[%dma_wait3A_222, %dma_wait3A_234] : memref<2x125xi32, #tpu.memory_space<vmem>> -> memref<1x125xi32, #tpu.memory_space<vmem>>
      %dma_wait3A_236 = tpu.memref_squeeze %dma_wait3A_235 : memref<1x125xi32, #tpu.memory_space<vmem>> -> memref<125xi32, #tpu.memory_space<vmem>>
      %dma_wait3A_237 = arith.constant 0 : i32
      %dma_wait3A_238 = arith.constant 0 : i32
      %dma_wait3A_239 = arith.constant 0 : i32
      %dma_wait3A_240 = tpu.memref_slice %arg3[%scan3A, %dma_wait3A_237, %dma_wait3A_238, %dma_wait3A_239] : memref<2x16x80x125xi32, #tpu.memory_space<hbm>> -> memref<1x16x80x125xi32, #tpu.memory_space<hbm>>
      %dma_wait3A_241 = tpu.memref_squeeze %dma_wait3A_240 : memref<1x16x80x125xi32, #tpu.memory_space<hbm>> -> memref<16x80x125xi32, #tpu.memory_space<hbm>>
      %dma_wait3A_242 = arith.constant 0 : i32
      %dma_wait3A_243 = tpu.memref_slice %dma_wait3A_241[%arg1, %dma_wait3A_221, %dma_wait3A_242] : memref<16x80x125xi32, #tpu.memory_space<hbm>> -> memref<1x1x125xi32, #tpu.memory_space<hbm>>
      %dma_wait3A_244 = tpu.memref_squeeze %dma_wait3A_243 : memref<1x1x125xi32, #tpu.memory_space<hbm>> -> memref<125xi32, #tpu.memory_space<hbm>>
      tpu.wait_dma2 semaphore(%arg13 : memref<!tpu.dma_semaphore, #tpu.memory_space<semaphore_mem>>) src(%dma_wait3A_244 : memref<125xi32, #tpu.memory_space<hbm>>) dst(%dma_wait3A_236 : memref<125xi32, #tpu.memory_space<vmem>>)
      %dma_start3A_245 = arith.constant 1 : i32
      %dma_start3A_246 = arith.constant 0 : i32
      %dma_start3A_247 = tpu.memref_slice %arg6[%dma_start3A_245, %dma_start3A_246] : memref<2x125xi32, #tpu.memory_space<vmem>> -> memref<1x125xi32, #tpu.memory_space<vmem>>
      %dma_start3A_248 = tpu.memref_squeeze %dma_start3A_247 : memref<1x125xi32, #tpu.memory_space<vmem>> -> memref<125xi32, #tpu.memory_space<vmem>>
      %dma_start3A_249 = arith.constant 0 : i32
      %dma_start3A_250 = arith.constant 0 : i32
      %dma_start3A_251 = tpu.memref_slice %arg9[%dma_start3A_249, %dma_start3A_250] : memref<10240x128xf32, #tpu.memory_space<vmem_shared>> -> memref<10240x128xf32, #tpu.memory_space<vmem_shared>>
      tpu.enqueue_indirect_dma source(%arg8 : memref<125x128xf32, #tpu.memory_space<vmem>>) target(%dma_start3A_251 : memref<10240x128xf32, #tpu.memory_space<vmem_shared>>) offsets(%dma_start3A_248 : memref<125xi32, #tpu.memory_space<vmem>>) semaphore(%arg15 : memref<!tpu.dma_semaphore, #tpu.memory_space<semaphore_mem>>) {add = true}
      %dma_wait3A_252 = arith.constant 0 : i32
      %dma_wait3A_253 = arith.constant 0 : i32
      %dma_wait3A_254 = tpu.memref_slice %arg6[%dma_wait3A_252, %dma_wait3A_253] : memref<2x125xi32, #tpu.memory_space<vmem>> -> memref<1x125xi32, #tpu.memory_space<vmem>>
      %dma_wait3A_255 = tpu.memref_squeeze %dma_wait3A_254 : memref<1x125xi32, #tpu.memory_space<vmem>> -> memref<125xi32, #tpu.memory_space<vmem>>
      %dma_wait3A_256 = arith.constant 0 : i32
      %dma_wait3A_257 = arith.constant 0 : i32
      %dma_wait3A_258 = tpu.memref_slice %arg9[%dma_wait3A_256, %dma_wait3A_257] : memref<10240x128xf32, #tpu.memory_space<vmem_shared>> -> memref<10240x128xf32, #tpu.memory_space<vmem_shared>>
      tpu.wait_indirect_dma semaphore(%arg14 : memref<!tpu.dma_semaphore, #tpu.memory_space<semaphore_mem>>) src(%arg7 : memref<125x128xf32, #tpu.memory_space<vmem>>) dst(%dma_wait3A_258 : memref<10240x128xf32, #tpu.memory_space<vmem_shared>>)
      %dma_start3A_259 = arith.constant 0 : i32
      %dma_start3A_260 = arith.constant 0 : i32
      %dma_start3A_261 = tpu.memref_slice %arg6[%dma_start3A_259, %dma_start3A_260] : memref<2x125xi32, #tpu.memory_space<vmem>> -> memref<1x125xi32, #tpu.memory_space<vmem>>
      %dma_start3A_262 = tpu.memref_squeeze %dma_start3A_261 : memref<1x125xi32, #tpu.memory_space<vmem>> -> memref<125xi32, #tpu.memory_space<vmem>>
      %dma_start3A_263 = arith.constant 0 : i32
      %dma_start3A_264 = arith.constant 0 : i32
      %dma_start3A_265 = arith.constant 0 : i32
      %dma_start3A_266 = tpu.memref_slice %arg3[%scan3A, %dma_start3A_263, %dma_start3A_264, %dma_start3A_265] : memref<2x16x80x125xi32, #tpu.memory_space<hbm>> -> memref<1x16x80x125xi32, #tpu.memory_space<hbm>>
      %dma_start3A_267 = tpu.memref_squeeze %dma_start3A_266 : memref<1x16x80x125xi32, #tpu.memory_space<hbm>> -> memref<16x80x125xi32, #tpu.memory_space<hbm>>
      %dma_start3A_268 = arith.constant 0 : i32
      %dma_start3A_269 = tpu.memref_slice %dma_start3A_267[%arg1, %min3A_163, %dma_start3A_268] : memref<16x80x125xi32, #tpu.memory_space<hbm>> -> memref<1x1x125xi32, #tpu.memory_space<hbm>>
      %dma_start3A_270 = tpu.memref_squeeze %dma_start3A_269 : memref<1x1x125xi32, #tpu.memory_space<hbm>> -> memref<125xi32, #tpu.memory_space<hbm>>
      %dma_start3A_271 = arith.constant 0 : i32
      %dma_start3A_272 = tpu.memref_slice %arg6[%dma_start3A_259, %dma_start3A_271] : memref<2x125xi32, #tpu.memory_space<vmem>> -> memref<1x125xi32, #tpu.memory_space<vmem>>
      %dma_start3A_273 = tpu.memref_squeeze %dma_start3A_272 : memref<1x125xi32, #tpu.memory_space<vmem>> -> memref<125xi32, #tpu.memory_space<vmem>>
      %dma_start3A_274 = arith.constant 0 : i32
      %dma_start3A_275 = arith.constant 0 : i32
      %dma_start3A_276 = arith.constant 0 : i32
      %dma_start3A_277 = tpu.memref_slice %arg3[%scan3A, %dma_start3A_274, %dma_start3A_275, %dma_start3A_276] : memref<2x16x80x125xi32, #tpu.memory_space<hbm>> -> memref<1x16x80x125xi32, #tpu.memory_space<hbm>>
      %dma_start3A_278 = tpu.memref_squeeze %dma_start3A_277 : memref<1x16x80x125xi32, #tpu.memory_space<hbm>> -> memref<16x80x125xi32, #tpu.memory_space<hbm>>
      %dma_start3A_279 = arith.constant 0 : i32
      %dma_start3A_280 = tpu.memref_slice %dma_start3A_278[%arg1, %min3A_163, %dma_start3A_279] : memref<16x80x125xi32, #tpu.memory_space<hbm>> -> memref<1x1x125xi32, #tpu.memory_space<hbm>>
      %dma_start3A_281 = tpu.memref_squeeze %dma_start3A_280 : memref<1x1x125xi32, #tpu.memory_space<hbm>> -> memref<125xi32, #tpu.memory_space<hbm>>
      tpu.enqueue_dma source(%dma_start3A_281 : memref<125xi32, #tpu.memory_space<hbm>>) target(%dma_start3A_273 : memref<125xi32, #tpu.memory_space<vmem>>) target_semaphore(%arg12 : memref<!tpu.dma_semaphore, #tpu.memory_space<semaphore_mem>>)
      %dma_start3A_282 = arith.constant 0 : i32
      %dma_start3A_283 = tpu.memref_slice %arg5[%min3A_163, %dma_start3A_282] : memref<80x125xi32, #tpu.memory_space<vmem>> -> memref<1x125xi32, #tpu.memory_space<vmem>>
      %dma_start3A_284 = tpu.memref_squeeze %dma_start3A_283 : memref<1x125xi32, #tpu.memory_space<vmem>> -> memref<125xi32, #tpu.memory_space<vmem>>
      %dma_start3A_285 = arith.constant 0 : i32
      %dma_start3A_286 = arith.constant 0 : i32
      %dma_start3A_287 = tpu.memref_slice %arg2[%arg0, %dma_start3A_285, %dma_start3A_286] : memref<2x10000x128xf32, #tpu.memory_space<hbm>> -> memref<1x10000x128xf32, #tpu.memory_space<hbm>>
      %dma_start3A_288 = tpu.memref_squeeze %dma_start3A_287 : memref<1x10000x128xf32, #tpu.memory_space<hbm>> -> memref<10000x128xf32, #tpu.memory_space<hbm>>
      %dma_start3A_289 = arith.constant 0 : i32
      %dma_start3A_290 = arith.constant 0 : i32
      %dma_start3A_291 = tpu.memref_slice %dma_start3A_288[%dma_start3A_289, %dma_start3A_290] : memref<10000x128xf32, #tpu.memory_space<hbm>> -> memref<10000x128xf32, #tpu.memory_space<hbm>>
      tpu.enqueue_indirect_dma source(%dma_start3A_291 : memref<10000x128xf32, #tpu.memory_space<hbm>>) target(%arg7 : memref<125x128xf32, #tpu.memory_space<vmem>>) offsets(%dma_start3A_284 : memref<125xi32, #tpu.memory_space<vmem>>) semaphore(%arg10 : memref<!tpu.dma_semaphore, #tpu.memory_space<semaphore_mem>>)
      %dma_wait3A_292 = arith.constant 1 : i32
      %dma_wait3A_293 = arith.constant 0 : i32
      %dma_wait3A_294 = tpu.memref_slice %arg6[%dma_wait3A_292, %dma_wait3A_293] : memref<2x125xi32, #tpu.memory_space<vmem>> -> memref<1x125xi32, #tpu.memory_space<vmem>>
      %dma_wait3A_295 = tpu.memref_squeeze %dma_wait3A_294 : memref<1x125xi32, #tpu.memory_space<vmem>> -> memref<125xi32, #tpu.memory_space<vmem>>
      %dma_wait3A_296 = arith.constant 0 : i32
      %dma_wait3A_297 = arith.constant 0 : i32
      %dma_wait3A_298 = tpu.memref_slice %arg9[%dma_wait3A_296, %dma_wait3A_297] : memref<10240x128xf32, #tpu.memory_space<vmem_shared>> -> memref<10240x128xf32, #tpu.memory_space<vmem_shared>>
      tpu.wait_indirect_dma semaphore(%arg15 : memref<!tpu.dma_semaphore, #tpu.memory_space<semaphore_mem>>) src(%arg8 : memref<125x128xf32, #tpu.memory_space<vmem>>) dst(%dma_wait3A_298 : memref<10240x128xf32, #tpu.memory_space<vmem_shared>>)
      %dma_start3A_299 = arith.constant 1 : i32
      %dma_start3A_300 = arith.constant 0 : i32
      %dma_start3A_301 = tpu.memref_slice %arg6[%dma_start3A_299, %dma_start3A_300] : memref<2x125xi32, #tpu.memory_space<vmem>> -> memref<1x125xi32, #tpu.memory_space<vmem>>
      %dma_start3A_302 = tpu.memref_squeeze %dma_start3A_301 : memref<1x125xi32, #tpu.memory_space<vmem>> -> memref<125xi32, #tpu.memory_space<vmem>>
      %dma_start3A_303 = arith.constant 0 : i32
      %dma_start3A_304 = arith.constant 0 : i32
      %dma_start3A_305 = arith.constant 0 : i32
      %dma_start3A_306 = tpu.memref_slice %arg3[%scan3A, %dma_start3A_303, %dma_start3A_304, %dma_start3A_305] : memref<2x16x80x125xi32, #tpu.memory_space<hbm>> -> memref<1x16x80x125xi32, #tpu.memory_space<hbm>>
      %dma_start3A_307 = tpu.memref_squeeze %dma_start3A_306 : memref<1x16x80x125xi32, #tpu.memory_space<hbm>> -> memref<16x80x125xi32, #tpu.memory_space<hbm>>
      %dma_start3A_308 = arith.constant 0 : i32
      %dma_start3A_309 = tpu.memref_slice %dma_start3A_307[%arg1, %min3A_167, %dma_start3A_308] : memref<16x80x125xi32, #tpu.memory_space<hbm>> -> memref<1x1x125xi32, #tpu.memory_space<hbm>>
      %dma_start3A_310 = tpu.memref_squeeze %dma_start3A_309 : memref<1x1x125xi32, #tpu.memory_space<hbm>> -> memref<125xi32, #tpu.memory_space<hbm>>
      %dma_start3A_311 = arith.constant 0 : i32
      %dma_start3A_312 = tpu.memref_slice %arg6[%dma_start3A_299, %dma_start3A_311] : memref<2x125xi32, #tpu.memory_space<vmem>> -> memref<1x125xi32, #tpu.memory_space<vmem>>
      %dma_start3A_313 = tpu.memref_squeeze %dma_start3A_312 : memref<1x125xi32, #tpu.memory_space<vmem>> -> memref<125xi32, #tpu.memory_space<vmem>>
      %dma_start3A_314 = arith.constant 0 : i32
      %dma_start3A_315 = arith.constant 0 : i32
      %dma_start3A_316 = arith.constant 0 : i32
      %dma_start3A_317 = tpu.memref_slice %arg3[%scan3A, %dma_start3A_314, %dma_start3A_315, %dma_start3A_316] : memref<2x16x80x125xi32, #tpu.memory_space<hbm>> -> memref<1x16x80x125xi32, #tpu.memory_space<hbm>>
      %dma_start3A_318 = tpu.memref_squeeze %dma_start3A_317 : memref<1x16x80x125xi32, #tpu.memory_space<hbm>> -> memref<16x80x125xi32, #tpu.memory_space<hbm>>
      %dma_start3A_319 = arith.constant 0 : i32
      %dma_start3A_320 = tpu.memref_slice %dma_start3A_318[%arg1, %min3A_167, %dma_start3A_319] : memref<16x80x125xi32, #tpu.memory_space<hbm>> -> memref<1x1x125xi32, #tpu.memory_space<hbm>>
      %dma_start3A_321 = tpu.memref_squeeze %dma_start3A_320 : memref<1x1x125xi32, #tpu.memory_space<hbm>> -> memref<125xi32, #tpu.memory_space<hbm>>
      tpu.enqueue_dma source(%dma_start3A_321 : memref<125xi32, #tpu.memory_space<hbm>>) target(%dma_start3A_313 : memref<125xi32, #tpu.memory_space<vmem>>) target_semaphore(%arg13 : memref<!tpu.dma_semaphore, #tpu.memory_space<semaphore_mem>>)
      %dma_start3A_322 = arith.constant 0 : i32
      %dma_start3A_323 = tpu.memref_slice %arg5[%min3A_167, %dma_start3A_322] : memref<80x125xi32, #tpu.memory_space<vmem>> -> memref<1x125xi32, #tpu.memory_space<vmem>>
      %dma_start3A_324 = tpu.memref_squeeze %dma_start3A_323 : memref<1x125xi32, #tpu.memory_space<vmem>> -> memref<125xi32, #tpu.memory_space<vmem>>
      %dma_start3A_325 = arith.constant 0 : i32
      %dma_start3A_326 = arith.constant 0 : i32
      %dma_start3A_327 = tpu.memref_slice %arg2[%arg0, %dma_start3A_325, %dma_start3A_326] : memref<2x10000x128xf32, #tpu.memory_space<hbm>> -> memref<1x10000x128xf32, #tpu.memory_space<hbm>>
      %dma_start3A_328 = tpu.memref_squeeze %dma_start3A_327 : memref<1x10000x128xf32, #tpu.memory_space<hbm>> -> memref<10000x128xf32, #tpu.memory_space<hbm>>
      %dma_start3A_329 = arith.constant 0 : i32
      %dma_start3A_330 = arith.constant 0 : i32
      %dma_start3A_331 = tpu.memref_slice %dma_start3A_328[%dma_start3A_329, %dma_start3A_330] : memref<10000x128xf32, #tpu.memory_space<hbm>> -> memref<10000x128xf32, #tpu.memory_space<hbm>>
      tpu.enqueue_indirect_dma source(%dma_start3A_331 : memref<10000x128xf32, #tpu.memory_space<hbm>>) target(%arg8 : memref<125x128xf32, #tpu.memory_space<vmem>>) offsets(%dma_start3A_324 : memref<125xi32, #tpu.memory_space<vmem>>) semaphore(%arg11 : memref<!tpu.dma_semaphore, #tpu.memory_space<semaphore_mem>>)
    }
    %scan3A_81 = arith.constant 40 : i32
    %dma_wait3A = arith.constant 0 : i32
    %dma_wait3A_82 = arith.constant 0 : i32
    %dma_wait3A_83 = tpu.memref_slice %arg5[%dma_wait3A, %dma_wait3A_82] : memref<80x125xi32, #tpu.memory_space<vmem>> -> memref<1x125xi32, #tpu.memory_space<vmem>>
    %dma_wait3A_84 = tpu.memref_squeeze %dma_wait3A_83 : memref<1x125xi32, #tpu.memory_space<vmem>> -> memref<125xi32, #tpu.memory_space<vmem>>
    %dma_wait3A_85 = arith.constant 0 : i32
    %dma_wait3A_86 = arith.constant 0 : i32
    %dma_wait3A_87 = tpu.memref_slice %arg2[%arg0, %dma_wait3A_85, %dma_wait3A_86] : memref<2x10000x128xf32, #tpu.memory_space<hbm>> -> memref<1x10000x128xf32, #tpu.memory_space<hbm>>
    %dma_wait3A_88 = tpu.memref_squeeze %dma_wait3A_87 : memref<1x10000x128xf32, #tpu.memory_space<hbm>> -> memref<10000x128xf32, #tpu.memory_space<hbm>>
    %dma_wait3A_89 = arith.constant 0 : i32
    %dma_wait3A_90 = arith.constant 0 : i32
    %dma_wait3A_91 = tpu.memref_slice %dma_wait3A_88[%dma_wait3A_89, %dma_wait3A_90] : memref<10000x128xf32, #tpu.memory_space<hbm>> -> memref<10000x128xf32, #tpu.memory_space<hbm>>
    tpu.wait_indirect_dma semaphore(%arg10 : memref<!tpu.dma_semaphore, #tpu.memory_space<semaphore_mem>>) src(%dma_wait3A_91 : memref<10000x128xf32, #tpu.memory_space<hbm>>) dst(%arg7 : memref<125x128xf32, #tpu.memory_space<vmem>>)
    %dma_wait3A_92 = arith.constant 0 : i32
    %dma_wait3A_93 = arith.constant 0 : i32
    %dma_wait3A_94 = tpu.memref_slice %arg5[%dma_wait3A_92, %dma_wait3A_93] : memref<80x125xi32, #tpu.memory_space<vmem>> -> memref<1x125xi32, #tpu.memory_space<vmem>>
    %dma_wait3A_95 = tpu.memref_squeeze %dma_wait3A_94 : memref<1x125xi32, #tpu.memory_space<vmem>> -> memref<125xi32, #tpu.memory_space<vmem>>
    %dma_wait3A_96 = arith.constant 0 : i32
    %dma_wait3A_97 = arith.constant 0 : i32
    %dma_wait3A_98 = tpu.memref_slice %arg2[%arg0, %dma_wait3A_96, %dma_wait3A_97] : memref<2x10000x128xf32, #tpu.memory_space<hbm>> -> memref<1x10000x128xf32, #tpu.memory_space<hbm>>
    %dma_wait3A_99 = tpu.memref_squeeze %dma_wait3A_98 : memref<1x10000x128xf32, #tpu.memory_space<hbm>> -> memref<10000x128xf32, #tpu.memory_space<hbm>>
    %dma_wait3A_100 = arith.constant 0 : i32
    %dma_wait3A_101 = arith.constant 0 : i32
    %dma_wait3A_102 = tpu.memref_slice %dma_wait3A_99[%dma_wait3A_100, %dma_wait3A_101] : memref<10000x128xf32, #tpu.memory_space<hbm>> -> memref<10000x128xf32, #tpu.memory_space<hbm>>
    tpu.wait_indirect_dma semaphore(%arg11 : memref<!tpu.dma_semaphore, #tpu.memory_space<semaphore_mem>>) src(%dma_wait3A_102 : memref<10000x128xf32, #tpu.memory_space<hbm>>) dst(%arg8 : memref<125x128xf32, #tpu.memory_space<vmem>>)
    %dma_wait3A_103 = arith.constant 1 : i32
    %dma_wait3A_104 = arith.constant 0 : i32
    %dma_wait3A_105 = arith.constant 0 : i32
    %dma_wait3A_106 = arith.constant 0 : i32
    %dma_wait3A_107 = tpu.memref_slice %arg6[%dma_wait3A_105, %dma_wait3A_106] : memref<2x125xi32, #tpu.memory_space<vmem>> -> memref<1x125xi32, #tpu.memory_space<vmem>>
    %dma_wait3A_108 = tpu.memref_squeeze %dma_wait3A_107 : memref<1x125xi32, #tpu.memory_space<vmem>> -> memref<125xi32, #tpu.memory_space<vmem>>
    %dma_wait3A_109 = arith.constant 0 : i32
    %dma_wait3A_110 = arith.constant 0 : i32
    %dma_wait3A_111 = arith.constant 0 : i32
    %dma_wait3A_112 = tpu.memref_slice %arg3[%dma_wait3A_103, %dma_wait3A_109, %dma_wait3A_110, %dma_wait3A_111] : memref<2x16x80x125xi32, #tpu.memory_space<hbm>> -> memref<1x16x80x125xi32, #tpu.memory_space<hbm>>
    %dma_wait3A_113 = tpu.memref_squeeze %dma_wait3A_112 : memref<1x16x80x125xi32, #tpu.memory_space<hbm>> -> memref<16x80x125xi32, #tpu.memory_space<hbm>>
    %dma_wait3A_114 = arith.constant 0 : i32
    %dma_wait3A_115 = tpu.memref_slice %dma_wait3A_113[%arg1, %dma_wait3A_104, %dma_wait3A_114] : memref<16x80x125xi32, #tpu.memory_space<hbm>> -> memref<1x1x125xi32, #tpu.memory_space<hbm>>
    %dma_wait3A_116 = tpu.memref_squeeze %dma_wait3A_115 : memref<1x1x125xi32, #tpu.memory_space<hbm>> -> memref<125xi32, #tpu.memory_space<hbm>>
    %dma_wait3A_117 = arith.constant 0 : i32
    %dma_wait3A_118 = tpu.memref_slice %arg6[%dma_wait3A_105, %dma_wait3A_117] : memref<2x125xi32, #tpu.memory_space<vmem>> -> memref<1x125xi32, #tpu.memory_space<vmem>>
    %dma_wait3A_119 = tpu.memref_squeeze %dma_wait3A_118 : memref<1x125xi32, #tpu.memory_space<vmem>> -> memref<125xi32, #tpu.memory_space<vmem>>
    %dma_wait3A_120 = arith.constant 0 : i32
    %dma_wait3A_121 = arith.constant 0 : i32
    %dma_wait3A_122 = arith.constant 0 : i32
    %dma_wait3A_123 = tpu.memref_slice %arg3[%dma_wait3A_103, %dma_wait3A_120, %dma_wait3A_121, %dma_wait3A_122] : memref<2x16x80x125xi32, #tpu.memory_space<hbm>> -> memref<1x16x80x125xi32, #tpu.memory_space<hbm>>
    %dma_wait3A_124 = tpu.memref_squeeze %dma_wait3A_123 : memref<1x16x80x125xi32, #tpu.memory_space<hbm>> -> memref<16x80x125xi32, #tpu.memory_space<hbm>>
    %dma_wait3A_125 = arith.constant 0 : i32
    %dma_wait3A_126 = tpu.memref_slice %dma_wait3A_124[%arg1, %dma_wait3A_104, %dma_wait3A_125] : memref<16x80x125xi32, #tpu.memory_space<hbm>> -> memref<1x1x125xi32, #tpu.memory_space<hbm>>
    %dma_wait3A_127 = tpu.memref_squeeze %dma_wait3A_126 : memref<1x1x125xi32, #tpu.memory_space<hbm>> -> memref<125xi32, #tpu.memory_space<hbm>>
    tpu.wait_dma2 semaphore(%arg12 : memref<!tpu.dma_semaphore, #tpu.memory_space<semaphore_mem>>) src(%dma_wait3A_127 : memref<125xi32, #tpu.memory_space<hbm>>) dst(%dma_wait3A_119 : memref<125xi32, #tpu.memory_space<vmem>>)
    %dma_wait3A_128 = arith.constant 1 : i32
    %dma_wait3A_129 = arith.constant 0 : i32
    %dma_wait3A_130 = arith.constant 1 : i32
    %dma_wait3A_131 = arith.constant 0 : i32
    %dma_wait3A_132 = tpu.memref_slice %arg6[%dma_wait3A_130, %dma_wait3A_131] : memref<2x125xi32, #tpu.memory_space<vmem>> -> memref<1x125xi32, #tpu.memory_space<vmem>>
    %dma_wait3A_133 = tpu.memref_squeeze %dma_wait3A_132 : memref<1x125xi32, #tpu.memory_space<vmem>> -> memref<125xi32, #tpu.memory_space<vmem>>
    %dma_wait3A_134 = arith.constant 0 : i32
    %dma_wait3A_135 = arith.constant 0 : i32
    %dma_wait3A_136 = arith.constant 0 : i32
    %dma_wait3A_137 = tpu.memref_slice %arg3[%dma_wait3A_128, %dma_wait3A_134, %dma_wait3A_135, %dma_wait3A_136] : memref<2x16x80x125xi32, #tpu.memory_space<hbm>> -> memref<1x16x80x125xi32, #tpu.memory_space<hbm>>
    %dma_wait3A_138 = tpu.memref_squeeze %dma_wait3A_137 : memref<1x16x80x125xi32, #tpu.memory_space<hbm>> -> memref<16x80x125xi32, #tpu.memory_space<hbm>>
    %dma_wait3A_139 = arith.constant 0 : i32
    %dma_wait3A_140 = tpu.memref_slice %dma_wait3A_138[%arg1, %dma_wait3A_129, %dma_wait3A_139] : memref<16x80x125xi32, #tpu.memory_space<hbm>> -> memref<1x1x125xi32, #tpu.memory_space<hbm>>
    %dma_wait3A_141 = tpu.memref_squeeze %dma_wait3A_140 : memref<1x1x125xi32, #tpu.memory_space<hbm>> -> memref<125xi32, #tpu.memory_space<hbm>>
    %dma_wait3A_142 = arith.constant 0 : i32
    %dma_wait3A_143 = tpu.memref_slice %arg6[%dma_wait3A_130, %dma_wait3A_142] : memref<2x125xi32, #tpu.memory_space<vmem>> -> memref<1x125xi32, #tpu.memory_space<vmem>>
    %dma_wait3A_144 = tpu.memref_squeeze %dma_wait3A_143 : memref<1x125xi32, #tpu.memory_space<vmem>> -> memref<125xi32, #tpu.memory_space<vmem>>
    %dma_wait3A_145 = arith.constant 0 : i32
    %dma_wait3A_146 = arith.constant 0 : i32
    %dma_wait3A_147 = arith.constant 0 : i32
    %dma_wait3A_148 = tpu.memref_slice %arg3[%dma_wait3A_128, %dma_wait3A_145, %dma_wait3A_146, %dma_wait3A_147] : memref<2x16x80x125xi32, #tpu.memory_space<hbm>> -> memref<1x16x80x125xi32, #tpu.memory_space<hbm>>
    %dma_wait3A_149 = tpu.memref_squeeze %dma_wait3A_148 : memref<1x16x80x125xi32, #tpu.memory_space<hbm>> -> memref<16x80x125xi32, #tpu.memory_space<hbm>>
    %dma_wait3A_150 = arith.constant 0 : i32
    %dma_wait3A_151 = tpu.memref_slice %dma_wait3A_149[%arg1, %dma_wait3A_129, %dma_wait3A_150] : memref<16x80x125xi32, #tpu.memory_space<hbm>> -> memref<1x1x125xi32, #tpu.memory_space<hbm>>
    %dma_wait3A_152 = tpu.memref_squeeze %dma_wait3A_151 : memref<1x1x125xi32, #tpu.memory_space<hbm>> -> memref<125xi32, #tpu.memory_space<hbm>>
    tpu.wait_dma2 semaphore(%arg13 : memref<!tpu.dma_semaphore, #tpu.memory_space<semaphore_mem>>) src(%dma_wait3A_152 : memref<125xi32, #tpu.memory_space<hbm>>) dst(%dma_wait3A_144 : memref<125xi32, #tpu.memory_space<vmem>>)
    %barrier3A_153 = arith.constant 0 : index
    tpu.barrier barrier_id(%barrier3A_153)
    %mul3A = arith.constant 640 : i32
    %mul3A_154 = arith.muli %arg1, %mul3A : i32
    %mul3A_155 = arith.constant 640 : i32
    %mul3A_156 = arith.muli %arg1, %mul3A_155 : i32
    "tpu.region"() ({
      %run_scoped3A_157 = tpu.sem_alloc : memref<!tpu.dma_semaphore, #tpu.memory_space<semaphore_mem>>
      %dma_start3A_158 = arith.constant 0 : i32
      %dma_start3A_159 = tpu.memref_slice %arg4[%arg0, %mul3A_156, %dma_start3A_158] : memref<2x10240x128xf32, #tpu.memory_space<hbm>> -> memref<1x640x128xf32, #tpu.memory_space<hbm>>
      %dma_start3A_160 = tpu.memref_squeeze %dma_start3A_159 : memref<1x640x128xf32, #tpu.memory_space<hbm>> -> memref<640x128xf32, #tpu.memory_space<hbm>>
      %dma_start3A_161 = arith.constant 0 : i32
      %dma_start3A_162 = tpu.memref_slice %arg9[%mul3A_154, %dma_start3A_161] : memref<10240x128xf32, #tpu.memory_space<vmem_shared>> -> memref<640x128xf32, #tpu.memory_space<vmem_shared>>
      tpu.enqueue_dma source(%dma_start3A_162 : memref<640x128xf32, #tpu.memory_space<vmem_shared>>) target(%dma_start3A_160 : memref<640x128xf32, #tpu.memory_space<hbm>>) target_semaphore(%run_scoped3A_157 : memref<!tpu.dma_semaphore, #tpu.memory_space<semaphore_mem>>)
      %dma_wait3A_163 = arith.constant 0 : i32
      %dma_wait3A_164 = tpu.memref_slice %arg4[%arg0, %mul3A_156, %dma_wait3A_163] : memref<2x10240x128xf32, #tpu.memory_space<hbm>> -> memref<1x640x128xf32, #tpu.memory_space<hbm>>
      %dma_wait3A_165 = tpu.memref_squeeze %dma_wait3A_164 : memref<1x640x128xf32, #tpu.memory_space<hbm>> -> memref<640x128xf32, #tpu.memory_space<hbm>>
      %dma_wait3A_166 = arith.constant 0 : i32
      %dma_wait3A_167 = tpu.memref_slice %arg9[%mul3A_154, %dma_wait3A_166] : memref<10240x128xf32, #tpu.memory_space<vmem_shared>> -> memref<640x128xf32, #tpu.memory_space<vmem_shared>>
      tpu.wait_dma2 semaphore(%run_scoped3A_157 : memref<!tpu.dma_semaphore, #tpu.memory_space<semaphore_mem>>) src(%dma_wait3A_167 : memref<640x128xf32, #tpu.memory_space<vmem_shared>>) dst(%dma_wait3A_165 : memref<640x128xf32, #tpu.memory_space<hbm>>)
      tpu.yield
    }) : () -> ()
    return
  }
}

#map = affine_map<(d0, d1) -> (0, 0, 0, 0)>
#map1 = affine_map<(d0, d1) -> (0, 0)>
module attributes {stable_mosaic.version = 14 : i64} {
  func.func @_deg_kernel(%arg0: i32, %arg1: i32, %arg2: memref<2x16x80x125xi32, #tpu.memory_space<hbm>>, %arg3: memref<2x10240xf32, #tpu.memory_space<hbm>>, %arg4: memref<40x125xi32, #tpu.memory_space<vmem>>, %arg5: memref<10240xf32, #tpu.memory_space<vmem>>, %arg6: memref<640xf32, #tpu.memory_space<vmem>>, %arg7: memref<640xf32, #tpu.memory_space<vmem>>, %arg8: memref<16x10240xf32, #tpu.memory_space<vmem_shared>>) attributes {dimension_semantics = [#tpu.dimension_semantics<core_parallel>, #tpu.dimension_semantics<subcore_parallel>], iteration_bounds = array<i64: 2, 16>, scalar_prefetch = 0 : i64, scratch_operands = 5 : i64, tpu.core_type = #tpu.core_type<sc_vector_subcore>, window_params = [{transform_indices = #map}, {transform_indices = #map1}]} {
    %mul3A = arith.constant 40 : i32
    %mul3A_0 = arith.muli %arg0, %mul3A : i32
    %run_scoped3A = arith.constant 1 : i32
    "tpu.region"() ({
      %run_scoped3A_30 = tpu.sem_alloc : memref<!tpu.dma_semaphore, #tpu.memory_space<semaphore_mem>>
      %dma_start3A = arith.constant 0 : i32
      %dma_start3A_31 = tpu.memref_slice %arg2[%run_scoped3A, %arg1, %mul3A_0, %dma_start3A] : memref<2x16x80x125xi32, #tpu.memory_space<hbm>> -> memref<1x1x40x125xi32, #tpu.memory_space<hbm>>
      %dma_start3A_32 = tpu.memref_squeeze %dma_start3A_31 : memref<1x1x40x125xi32, #tpu.memory_space<hbm>> -> memref<40x125xi32, #tpu.memory_space<hbm>>
      %dma_start3A_33 = arith.constant 0 : i32
      %dma_start3A_34 = tpu.memref_slice %arg2[%run_scoped3A, %arg1, %mul3A_0, %dma_start3A_33] : memref<2x16x80x125xi32, #tpu.memory_space<hbm>> -> memref<1x1x40x125xi32, #tpu.memory_space<hbm>>
      %dma_start3A_35 = tpu.memref_squeeze %dma_start3A_34 : memref<1x1x40x125xi32, #tpu.memory_space<hbm>> -> memref<40x125xi32, #tpu.memory_space<hbm>>
      tpu.enqueue_dma source(%dma_start3A_35 : memref<40x125xi32, #tpu.memory_space<hbm>>) target(%arg4 : memref<40x125xi32, #tpu.memory_space<vmem>>) target_semaphore(%run_scoped3A_30 : memref<!tpu.dma_semaphore, #tpu.memory_space<semaphore_mem>>)
      %dma_wait3A = arith.constant 0 : i32
      %dma_wait3A_36 = tpu.memref_slice %arg2[%run_scoped3A, %arg1, %mul3A_0, %dma_wait3A] : memref<2x16x80x125xi32, #tpu.memory_space<hbm>> -> memref<1x1x40x125xi32, #tpu.memory_space<hbm>>
      %dma_wait3A_37 = tpu.memref_squeeze %dma_wait3A_36 : memref<1x1x40x125xi32, #tpu.memory_space<hbm>> -> memref<40x125xi32, #tpu.memory_space<hbm>>
      %dma_wait3A_38 = arith.constant 0 : i32
      %dma_wait3A_39 = tpu.memref_slice %arg2[%run_scoped3A, %arg1, %mul3A_0, %dma_wait3A_38] : memref<2x16x80x125xi32, #tpu.memory_space<hbm>> -> memref<1x1x40x125xi32, #tpu.memory_space<hbm>>
      %dma_wait3A_40 = tpu.memref_squeeze %dma_wait3A_39 : memref<1x1x40x125xi32, #tpu.memory_space<hbm>> -> memref<40x125xi32, #tpu.memory_space<hbm>>
      tpu.wait_dma2 semaphore(%run_scoped3A_30 : memref<!tpu.dma_semaphore, #tpu.memory_space<semaphore_mem>>) src(%dma_wait3A_40 : memref<40x125xi32, #tpu.memory_space<hbm>>) dst(%arg4 : memref<40x125xi32, #tpu.memory_space<vmem>>)
      tpu.yield
    }) : () -> ()
    %scan3A = arith.constant 0 : i32
    %scan3A_1 = arith.constant 640 : i32
    %scan3A_2 = arith.addi %scan3A, %scan3A_1 : i32
    %scan3A_3 = arith.constant 1 : i32
    scf.for %scan3A_30 = %scan3A to %scan3A_2 step %scan3A_3  : i32 {
      %mul3A_31 = arith.constant 1 : i32
      %mul3A_32 = arith.muli %scan3A_30, %mul3A_31 : i32
      %add3A_33 = arith.constant 0 : i32
      %add3A_34 = arith.addi %add3A_33, %mul3A_32 : i32
      %broadcast_in_dim3A_35 = arith.constant 0.000000e+00 : f32
      %broadcast_in_dim3A_36 = vector.broadcast %broadcast_in_dim3A_35 : f32 to vector<16xf32>
      %mul3A_37 = arith.constant 16 : i32
      %mul3A_38 = arith.muli %add3A_34, %mul3A_37 : i32
      %swap3A = arith.index_cast %mul3A_38 : i32 to index
      %swap3A_39 = tpu.vector_load %arg5[%swap3A] {strides = array<i32>} : memref<10240xf32, #tpu.memory_space<vmem>>, vector<16xf32>,
      tpu.vector_store %arg5[%swap3A], %broadcast_in_dim3A_36 {strides = array<i32>} : memref<10240xf32, #tpu.memory_space<vmem>>, vector<16xf32>,
    }
    %scan3A_4 = arith.constant 640 : i32
    %broadcast_in_dim3A = arith.constant 1.000000e+00 : f32
    %broadcast_in_dim3A_5 = vector.broadcast %broadcast_in_dim3A : f32 to vector<16xf32>
    %iota3A = tpu.iota {dimensions = array<i32: 0>} : vector<16xi32>
    %lt3A = arith.constant 13 : i32
    %lt3A_6 = vector.broadcast %lt3A : i32 to vector<16xi32>
    %lt3A_7 = arith.cmpi slt, %iota3A, %lt3A_6 : vector<16xi32>
    %iota3A_8 = tpu.iota {dimensions = array<i32: 0>} : vector<16xi32>
    %add3A = arith.constant 112 : i32
    %add3A_9 = vector.broadcast %add3A : i32 to vector<16xi32>
    %add3A_10 = arith.addi %add3A_9, %iota3A_8 : vector<16xi32>
    %min3A = arith.constant 124 : i32
    %min3A_11 = vector.broadcast %min3A : i32 to vector<16xi32>
    %min3A_12 = arith.minsi %add3A_10, %min3A_11 : vector<16xi32>
    %scan3A_13 = arith.constant 0 : i32
    %scan3A_14 = arith.constant 40 : i32
    %scan3A_15 = arith.addi %scan3A_13, %scan3A_14 : i32
    %scan3A_16 = arith.constant 1 : i32
    scf.for %scan3A_30 = %scan3A_13 to %scan3A_15 step %scan3A_16  : i32 {
      %mul3A_31 = arith.constant 1 : i32
      %mul3A_32 = arith.muli %scan3A_30, %mul3A_31 : i32
      %add3A_33 = arith.constant 0 : i32
      %add3A_34 = arith.addi %add3A_33, %mul3A_32 : i32
      %scan3A_35 = arith.constant 0 : i32
      %scan3A_36 = arith.constant 7 : i32
      %scan3A_37 = arith.addi %scan3A_35, %scan3A_36 : i32
      %scan3A_38 = arith.constant 1 : i32
      scf.for %scan3A_41 = %scan3A_35 to %scan3A_37 step %scan3A_38  : i32 {
        %mul3A_42 = arith.constant 1 : i32
        %mul3A_43 = arith.muli %scan3A_41, %mul3A_42 : i32
        %add3A_44 = arith.constant 0 : i32
        %add3A_45 = arith.addi %add3A_44, %mul3A_43 : i32
        %mul3A_46 = arith.constant 16 : i32
        %mul3A_47 = arith.muli %add3A_45, %mul3A_46 : i32
        %get3A = arith.index_cast %add3A_34 : i32 to index
        %get3A_48 = arith.index_cast %mul3A_47 : i32 to index
        %get3A_49 = tpu.vector_load %arg4[%get3A, %get3A_48] {strides = array<i32>} : memref<40x125xi32, #tpu.memory_space<vmem>>, vector<16xi32>,
        tpu.vector_store_idx %arg5[%get3A_49], %broadcast_in_dim3A_5 {add = true} : memref<10240xf32, #tpu.memory_space<vmem>>[vector<16xi32>], vector<16xf32>,
      }
      %scan3A_39 = arith.constant 7 : i32
      %broadcast_in_dim3A_40 = vector.broadcast %add3A_34 : i32 to vector<16xi32>
      %gather3A = tpu.vector_load_idx %arg4[%broadcast_in_dim3A_40, %min3A_12] : memref<40x125xi32, #tpu.memory_space<vmem>>[vector<16xi32>, vector<16xi32>], vector<16xi32>,
      tpu.vector_store_idx %arg5[%gather3A], %broadcast_in_dim3A_5 masked %lt3A_7 {add = true} : memref<10240xf32, #tpu.memory_space<vmem>>[vector<16xi32>], vector<16xf32>, vector<16xi1>
    }
    %scan3A_17 = arith.constant 40 : i32
    "tpu.region"() ({
      %run_scoped3A_30 = tpu.sem_alloc : memref<!tpu.dma_semaphore, #tpu.memory_space<semaphore_mem>>
      %dma_start3A = arith.constant 0 : i32
      %dma_start3A_31 = tpu.memref_slice %arg8[%arg1, %dma_start3A] : memref<16x10240xf32, #tpu.memory_space<vmem_shared>> -> memref<1x10240xf32, #tpu.memory_space<vmem_shared>>
      %dma_start3A_32 = tpu.memref_squeeze %dma_start3A_31 : memref<1x10240xf32, #tpu.memory_space<vmem_shared>> -> memref<10240xf32, #tpu.memory_space<vmem_shared>>
      %dma_start3A_33 = arith.constant 0 : i32
      %dma_start3A_34 = tpu.memref_slice %arg8[%arg1, %dma_start3A_33] : memref<16x10240xf32, #tpu.memory_space<vmem_shared>> -> memref<1x10240xf32, #tpu.memory_space<vmem_shared>>
      %dma_start3A_35 = tpu.memref_squeeze %dma_start3A_34 : memref<1x10240xf32, #tpu.memory_space<vmem_shared>> -> memref<10240xf32, #tpu.memory_space<vmem_shared>>
      tpu.enqueue_dma source(%arg5 : memref<10240xf32, #tpu.memory_space<vmem>>) target(%dma_start3A_35 : memref<10240xf32, #tpu.memory_space<vmem_shared>>) target_semaphore(%run_scoped3A_30 : memref<!tpu.dma_semaphore, #tpu.memory_space<semaphore_mem>>)
      %dma_wait3A = arith.constant 0 : i32
      %dma_wait3A_36 = tpu.memref_slice %arg8[%arg1, %dma_wait3A] : memref<16x10240xf32, #tpu.memory_space<vmem_shared>> -> memref<1x10240xf32, #tpu.memory_space<vmem_shared>>
      %dma_wait3A_37 = tpu.memref_squeeze %dma_wait3A_36 : memref<1x10240xf32, #tpu.memory_space<vmem_shared>> -> memref<10240xf32, #tpu.memory_space<vmem_shared>>
      %dma_wait3A_38 = arith.constant 0 : i32
      %dma_wait3A_39 = tpu.memref_slice %arg8[%arg1, %dma_wait3A_38] : memref<16x10240xf32, #tpu.memory_space<vmem_shared>> -> memref<1x10240xf32, #tpu.memory_space<vmem_shared>>
      %dma_wait3A_40 = tpu.memref_squeeze %dma_wait3A_39 : memref<1x10240xf32, #tpu.memory_space<vmem_shared>> -> memref<10240xf32, #tpu.memory_space<vmem_shared>>
      tpu.wait_dma2 semaphore(%run_scoped3A_30 : memref<!tpu.dma_semaphore, #tpu.memory_space<semaphore_mem>>) src(%arg5 : memref<10240xf32, #tpu.memory_space<vmem>>) dst(%dma_wait3A_40 : memref<10240xf32, #tpu.memory_space<vmem_shared>>)
      tpu.yield
    }) : () -> ()
    %barrier3A = arith.constant 0 : index
    tpu.barrier barrier_id(%barrier3A)
    %scan3A_18 = arith.constant 0 : i32
    %scan3A_19 = arith.constant 40 : i32
    %scan3A_20 = arith.addi %scan3A_18, %scan3A_19 : i32
    %scan3A_21 = arith.constant 1 : i32
    scf.for %scan3A_30 = %scan3A_18 to %scan3A_20 step %scan3A_21  : i32 {
      %mul3A_31 = arith.constant 1 : i32
      %mul3A_32 = arith.muli %scan3A_30, %mul3A_31 : i32
      %add3A_33 = arith.constant 0 : i32
      %add3A_34 = arith.addi %add3A_33, %mul3A_32 : i32
      %broadcast_in_dim3A_35 = arith.constant 0.000000e+00 : f32
      %broadcast_in_dim3A_36 = vector.broadcast %broadcast_in_dim3A_35 : f32 to vector<16xf32>
      %mul3A_37 = arith.constant 16 : i32
      %mul3A_38 = arith.muli %add3A_34, %mul3A_37 : i32
      %swap3A = arith.index_cast %mul3A_38 : i32 to index
      %swap3A_39 = tpu.vector_load %arg7[%swap3A] {strides = array<i32>} : memref<640xf32, #tpu.memory_space<vmem>>, vector<16xf32>,
      tpu.vector_store %arg7[%swap3A], %broadcast_in_dim3A_36 {strides = array<i32>} : memref<640xf32, #tpu.memory_space<vmem>>, vector<16xf32>,
    }
    %scan3A_22 = arith.constant 40 : i32
    %scan3A_23 = arith.constant 0 : i32
    %scan3A_24 = arith.constant 16 : i32
    %scan3A_25 = arith.addi %scan3A_23, %scan3A_24 : i32
    %scan3A_26 = arith.constant 1 : i32
    scf.for %scan3A_30 = %scan3A_23 to %scan3A_25 step %scan3A_26  : i32 {
      %mul3A_31 = arith.constant 1 : i32
      %mul3A_32 = arith.muli %scan3A_30, %mul3A_31 : i32
      %add3A_33 = arith.constant 0 : i32
      %add3A_34 = arith.addi %add3A_33, %mul3A_32 : i32
      %mul3A_35 = arith.constant 640 : i32
      %mul3A_36 = arith.muli %arg1, %mul3A_35 : i32
      "tpu.region"() ({
        %run_scoped3A_42 = tpu.sem_alloc : memref<!tpu.dma_semaphore, #tpu.memory_space<semaphore_mem>>
        %dma_start3A = tpu.memref_slice %arg8[%add3A_34, %mul3A_36] : memref<16x10240xf32, #tpu.memory_space<vmem_shared>> -> memref<1x640xf32, #tpu.memory_space<vmem_shared>>
        %dma_start3A_43 = tpu.memref_squeeze %dma_start3A : memref<1x640xf32, #tpu.memory_space<vmem_shared>> -> memref<640xf32, #tpu.memory_space<vmem_shared>>
        %dma_start3A_44 = tpu.memref_slice %arg8[%add3A_34, %mul3A_36] : memref<16x10240xf32, #tpu.memory_space<vmem_shared>> -> memref<1x640xf32, #tpu.memory_space<vmem_shared>>
        %dma_start3A_45 = tpu.memref_squeeze %dma_start3A_44 : memref<1x640xf32, #tpu.memory_space<vmem_shared>> -> memref<640xf32, #tpu.memory_space<vmem_shared>>
        tpu.enqueue_dma source(%dma_start3A_45 : memref<640xf32, #tpu.memory_space<vmem_shared>>) target(%arg6 : memref<640xf32, #tpu.memory_space<vmem>>) target_semaphore(%run_scoped3A_42 : memref<!tpu.dma_semaphore, #tpu.memory_space<semaphore_mem>>)
        %dma_wait3A = tpu.memref_slice %arg8[%add3A_34, %mul3A_36] : memref<16x10240xf32, #tpu.memory_space<vmem_shared>> -> memref<1x640xf32, #tpu.memory_space<vmem_shared>>
        %dma_wait3A_46 = tpu.memref_squeeze %dma_wait3A : memref<1x640xf32, #tpu.memory_space<vmem_shared>> -> memref<640xf32, #tpu.memory_space<vmem_shared>>
        %dma_wait3A_47 = tpu.memref_slice %arg8[%add3A_34, %mul3A_36] : memref<16x10240xf32, #tpu.memory_space<vmem_shared>> -> memref<1x640xf32, #tpu.memory_space<vmem_shared>>
        %dma_wait3A_48 = tpu.memref_squeeze %dma_wait3A_47 : memref<1x640xf32, #tpu.memory_space<vmem_shared>> -> memref<640xf32, #tpu.memory_space<vmem_shared>>
        tpu.wait_dma2 semaphore(%run_scoped3A_42 : memref<!tpu.dma_semaphore, #tpu.memory_space<semaphore_mem>>) src(%dma_wait3A_48 : memref<640xf32, #tpu.memory_space<vmem_shared>>) dst(%arg6 : memref<640xf32, #tpu.memory_space<vmem>>)
        tpu.yield
      }) : () -> ()
      %scan3A_37 = arith.constant 0 : i32
      %scan3A_38 = arith.constant 40 : i32
      %scan3A_39 = arith.addi %scan3A_37, %scan3A_38 : i32
      %scan3A_40 = arith.constant 1 : i32
      scf.for %scan3A_42 = %scan3A_37 to %scan3A_39 step %scan3A_40  : i32 {
        %mul3A_43 = arith.constant 1 : i32
        %mul3A_44 = arith.muli %scan3A_42, %mul3A_43 : i32
        %add3A_45 = arith.constant 0 : i32
        %add3A_46 = arith.addi %add3A_45, %mul3A_44 : i32
        %mul3A_47 = arith.constant 16 : i32
        %mul3A_48 = arith.muli %add3A_46, %mul3A_47 : i32
        %get3A = arith.index_cast %mul3A_48 : i32 to index
        %get3A_49 = tpu.vector_load %arg7[%get3A] {strides = array<i32>} : memref<640xf32, #tpu.memory_space<vmem>>, vector<16xf32>,
        %get3A_50 = arith.index_cast %mul3A_48 : i32 to index
        %get3A_51 = tpu.vector_load %arg6[%get3A_50] {strides = array<i32>} : memref<640xf32, #tpu.memory_space<vmem>>, vector<16xf32>,
        %add3A_52 = arith.addf %get3A_49, %get3A_51 : vector<16xf32>
        %swap3A = arith.index_cast %mul3A_48 : i32 to index
        %swap3A_53 = tpu.vector_load %arg7[%swap3A] {strides = array<i32>} : memref<640xf32, #tpu.memory_space<vmem>>, vector<16xf32>,
        tpu.vector_store %arg7[%swap3A], %add3A_52 {strides = array<i32>} : memref<640xf32, #tpu.memory_space<vmem>>, vector<16xf32>,
      }
      %scan3A_41 = arith.constant 40 : i32
    }
    %scan3A_27 = arith.constant 16 : i32
    %mul3A_28 = arith.constant 640 : i32
    %mul3A_29 = arith.muli %arg1, %mul3A_28 : i32
    "tpu.region"() ({
      %run_scoped3A_30 = tpu.sem_alloc : memref<!tpu.dma_semaphore, #tpu.memory_space<semaphore_mem>>
      %dma_start3A = tpu.memref_slice %arg3[%arg0, %mul3A_29] : memref<2x10240xf32, #tpu.memory_space<hbm>> -> memref<1x640xf32, #tpu.memory_space<hbm>>
      %dma_start3A_31 = tpu.memref_squeeze %dma_start3A : memref<1x640xf32, #tpu.memory_space<hbm>> -> memref<640xf32, #tpu.memory_space<hbm>>
      %dma_start3A_32 = tpu.memref_slice %arg3[%arg0, %mul3A_29] : memref<2x10240xf32, #tpu.memory_space<hbm>> -> memref<1x640xf32, #tpu.memory_space<hbm>>
      %dma_start3A_33 = tpu.memref_squeeze %dma_start3A_32 : memref<1x640xf32, #tpu.memory_space<hbm>> -> memref<640xf32, #tpu.memory_space<hbm>>
      tpu.enqueue_dma source(%arg7 : memref<640xf32, #tpu.memory_space<vmem>>) target(%dma_start3A_33 : memref<640xf32, #tpu.memory_space<hbm>>) target_semaphore(%run_scoped3A_30 : memref<!tpu.dma_semaphore, #tpu.memory_space<semaphore_mem>>)
      %dma_wait3A = tpu.memref_slice %arg3[%arg0, %mul3A_29] : memref<2x10240xf32, #tpu.memory_space<hbm>> -> memref<1x640xf32, #tpu.memory_space<hbm>>
      %dma_wait3A_34 = tpu.memref_squeeze %dma_wait3A : memref<1x640xf32, #tpu.memory_space<hbm>> -> memref<640xf32, #tpu.memory_space<hbm>>
      %dma_wait3A_35 = tpu.memref_slice %arg3[%arg0, %mul3A_29] : memref<2x10240xf32, #tpu.memory_space<hbm>> -> memref<1x640xf32, #tpu.memory_space<hbm>>
      %dma_wait3A_36 = tpu.memref_squeeze %dma_wait3A_35 : memref<1x640xf32, #tpu.memory_space<hbm>> -> memref<640xf32, #tpu.memory_space<hbm>>
      tpu.wait_dma2 semaphore(%run_scoped3A_30 : memref<!tpu.dma_semaphore, #tpu.memory_space<semaphore_mem>>) src(%arg7 : memref<640xf32, #tpu.memory_space<vmem>>) dst(%dma_wait3A_36 : memref<640xf32, #tpu.memory_space<hbm>>)
      tpu.yield
    }) : () -> ()
    return
  }
}

module attributes {stable_mosaic.version = 14 : i64} {
  func.func @_hs_body(%arg0: i32, %arg1: memref<2000x256xf32, #tpu.memory_space<vmem>>, %arg2: memref<2000x2xf32, #tpu.memory_space<vmem>>, %arg3: memref<2x2000x128xf32, #tpu.memory_space<vmem>>) attributes {dimension_semantics = [#tpu.dimension_semantics<arbitrary>], iteration_bounds = array<i64: 5>, scalar_prefetch = 0 : i64, scratch_operands = 0 : i64, tpu.core_type = #tpu.core_type<tc>, window_params = [{transform_indices = @transform_0, window_bounds = array<i64: 2000, 256>}, {transform_indices = @transform_1, window_bounds = array<i64: 2000, 2>}, {transform_indices = @transform_2, window_bounds = array<i64: 2, 2000, 128>}]} {
    %get3A = arith.constant 0 : index
    %get3A_0 = arith.constant 0 : index
    %get3A_1 = vector.load %arg2[%get3A, %get3A_0] : memref<2000x2xf32, #tpu.memory_space<vmem>>, vector<2000x1xf32>
    %get3A_2 = arith.constant 0 : index
    %get3A_3 = arith.constant 1 : index
    %get3A_4 = vector.load %arg2[%get3A_2, %get3A_3] : memref<2000x2xf32, #tpu.memory_space<vmem>>, vector<2000x1xf32>
    %add3A = arith.addf %get3A_1, %get3A_4 : vector<2000x1xf32>
    %add3A_5 = arith.constant 1.000000e+00 : f32
    %add3A_6 = vector.broadcast %add3A_5 : f32 to vector<2000x1xf32>
    %add3A_7 = arith.addf %add3A, %add3A_6 : vector<2000x1xf32>
    %rsqrt3A = math.rsqrt %add3A_7 : vector<2000x1xf32>
    %get3A_8 = arith.constant 0 : index
    %get3A_9 = arith.constant 0 : index
    %get3A_10 = vector.load %arg1[%get3A_8, %get3A_9] : memref<2000x256xf32, #tpu.memory_space<vmem>>, vector<2000x256xf32>
    %slice3A = vector.extract_strided_slice %get3A_10 {offsets = [0, 0], sizes = [2000, 128], strides = [1, 1]} : vector<2000x256xf32> to vector<2000x128xf32>
    %mul3A = vector.broadcast %rsqrt3A : vector<2000x1xf32> to vector<2000x128xf32>
    %mul3A_11 = arith.mulf %mul3A, %slice3A : vector<2000x128xf32>
    %swap3A = arith.constant 0 : index
    %swap3A_12 = arith.constant 0 : index
    %swap3A_13 = arith.constant 0 : index
    %swap3A_14 = vector.load %arg3[%swap3A, %swap3A_12, %swap3A_13] : memref<2x2000x128xf32, #tpu.memory_space<vmem>>, vector<1x2000x128xf32>
    %swap3A_15 = vector.shape_cast %swap3A_14 : vector<1x2000x128xf32> to vector<2000x128xf32>
    %swap3A_16 = vector.shape_cast %mul3A_11 : vector<2000x128xf32> to vector<1x2000x128xf32>
    tpu.vector_store %arg3[%swap3A, %swap3A_12, %swap3A_13], %swap3A_16 {strides = array<i32>} : memref<2x2000x128xf32, #tpu.memory_space<vmem>>, vector<1x2000x128xf32>,
    %slice3A_17 = vector.extract_strided_slice %get3A_10 {offsets = [0, 128], sizes = [2000, 128], strides = [1, 1]} : vector<2000x256xf32> to vector<2000x128xf32>
    %mul3A_18 = vector.broadcast %rsqrt3A : vector<2000x1xf32> to vector<2000x128xf32>
    %mul3A_19 = arith.mulf %mul3A_18, %slice3A_17 : vector<2000x128xf32>
    %swap3A_20 = arith.constant 1 : index
    %swap3A_21 = arith.constant 0 : index
    %swap3A_22 = arith.constant 0 : index
    %swap3A_23 = vector.load %arg3[%swap3A_20, %swap3A_21, %swap3A_22] : memref<2x2000x128xf32, #tpu.memory_space<vmem>>, vector<1x2000x128xf32>
    %swap3A_24 = vector.shape_cast %swap3A_23 : vector<1x2000x128xf32> to vector<2000x128xf32>
    %swap3A_25 = vector.shape_cast %mul3A_19 : vector<2000x128xf32> to vector<1x2000x128xf32>
    tpu.vector_store %arg3[%swap3A_20, %swap3A_21, %swap3A_22], %swap3A_25 {strides = array<i32>} : memref<2x2000x128xf32, #tpu.memory_space<vmem>>, vector<1x2000x128xf32>,
    return
  }
  func.func @transform_0(%arg0: i32) -> (i32, i32) {
    %c0_i32 = arith.constant 0 : i32
    %c0_i32_0 = arith.constant 0 : i32
    return %arg0, %c0_i32 : i32, i32
  }
  func.func @transform_1(%arg0: i32) -> (i32, i32) {
    %c0_i32 = arith.constant 0 : i32
    %c0_i32_0 = arith.constant 0 : i32
    return %arg0, %c0_i32 : i32, i32
  }
  func.func @transform_2(%arg0: i32) -> (i32, i32, i32) {
    %c0_i32 = arith.constant 0 : i32
    %c0_i32_0 = arith.constant 0 : i32
    %c0_i32_1 = arith.constant 0 : i32
    return %c0_i32, %arg0, %c0_i32_0 : i32, i32, i32
  }
}

module attributes {stable_mosaic.version = 14 : i64} {
  func.func @_mm_body(%arg0: i32, %arg1: memref<2000x256xf32, #tpu.memory_space<vmem>>, %arg2: memref<256x256xf32, #tpu.memory_space<vmem>>, %arg3: memref<2000x256xf32, #tpu.memory_space<vmem>>) attributes {dimension_semantics = [#tpu.dimension_semantics<arbitrary>], iteration_bounds = array<i64: 5>, scalar_prefetch = 0 : i64, scratch_operands = 0 : i64, tpu.core_type = #tpu.core_type<tc>, window_params = [{transform_indices = @transform_0, window_bounds = array<i64: 2000, 256>}, {pipeline_mode = #tpu.pipeline_mode<synchronous>, transform_indices = @transform_1, window_bounds = array<i64: 256, 256>}, {transform_indices = @transform_2, window_bounds = array<i64: 2000, 256>}]} {
    %get3A = arith.constant 0 : index
    %get3A_0 = arith.constant 0 : index
    %get3A_1 = vector.load %arg1[%get3A, %get3A_0] : memref<2000x256xf32, #tpu.memory_space<vmem>>, vector<2000x256xf32>
    %get3A_2 = arith.constant 0 : index
    %get3A_3 = arith.constant 0 : index
    %get3A_4 = vector.load %arg2[%get3A_2, %get3A_3] : memref<256x256xf32, #tpu.memory_space<vmem>>, vector<256x256xf32>
    %dot_general3A = arith.constant dense<0.000000e+00> : vector<2000x256xf32>
    %dot_general3A_5 = tpu.matmul %get3A_1, %get3A_4, %dot_general3A {dimension_numbers = #tpu.dot_dimension_numbers<[1], [0], [0], [1], [0, 0, 1, 1], [], []>, transpose_lhs_hint = false} : vector<2000x256xf32>, vector<256x256xf32>, vector<2000x256xf32> -> vector<2000x256xf32>
    %swap3A = arith.constant 0 : index
    %swap3A_6 = arith.constant 0 : index
    %swap3A_7 = vector.load %arg3[%swap3A, %swap3A_6] : memref<2000x256xf32, #tpu.memory_space<vmem>>, vector<2000x256xf32>
    tpu.vector_store %arg3[%swap3A, %swap3A_6], %dot_general3A_5 {strides = array<i32>} : memref<2000x256xf32, #tpu.memory_space<vmem>>, vector<2000x256xf32>,
    return
  }
  func.func @transform_0(%arg0: i32) -> (i32, i32) {
    %c0_i32 = arith.constant 0 : i32
    %c0_i32_0 = arith.constant 0 : i32
    return %arg0, %c0_i32 : i32, i32
  }
  func.func @transform_1(%arg0: i32) -> (i32, i32) {
    %c0_i32 = arith.constant 0 : i32
    %c0_i32_0 = arith.constant 0 : i32
    %c0_i32_1 = arith.constant 0 : i32
    return %c0_i32, %c0_i32_0 : i32, i32
  }
  func.func @transform_2(%arg0: i32) -> (i32, i32) {
    %c0_i32 = arith.constant 0 : i32
    %c0_i32_0 = arith.constant 0 : i32
    return %arg0, %c0_i32 : i32, i32
  }
}

module attributes {stable_mosaic.version = 14 : i64} {
  func.func @_fin_body(%arg0: i32, %arg1: memref<2000x256xf32, #tpu.memory_space<vmem>>, %arg2: memref<256x256xf32, #tpu.memory_space<vmem>>, %arg3: memref<1x256xf32, #tpu.memory_space<vmem>>, %arg4: memref<2x2000x128xf32, #tpu.memory_space<vmem>>, %arg5: memref<2000x2xf32, #tpu.memory_space<vmem>>, %arg6: memref<2000x256xf32, #tpu.memory_space<vmem>>) attributes {dimension_semantics = [#tpu.dimension_semantics<arbitrary>], iteration_bounds = array<i64: 5>, scalar_prefetch = 0 : i64, scratch_operands = 0 : i64, tpu.core_type = #tpu.core_type<tc>, window_params = [{transform_indices = @transform_0, window_bounds = array<i64: 2000, 256>}, {pipeline_mode = #tpu.pipeline_mode<synchronous>, transform_indices = @transform_1, window_bounds = array<i64: 256, 256>}, {pipeline_mode = #tpu.pipeline_mode<synchronous>, transform_indices = @transform_2, window_bounds = array<i64: 1, 256>}, {transform_indices = @transform_3, window_bounds = array<i64: 2, 2000, 128>}, {transform_indices = @transform_4, window_bounds = array<i64: 2000, 2>}, {transform_indices = @transform_5, window_bounds = array<i64: 2000, 256>}]} {
    %get3A = arith.constant 0 : index
    %get3A_0 = arith.constant 0 : index
    %get3A_1 = vector.load %arg1[%get3A, %get3A_0] : memref<2000x256xf32, #tpu.memory_space<vmem>>, vector<2000x256xf32>
    %get3A_2 = arith.constant 0 : index
    %get3A_3 = arith.constant 0 : index
    %get3A_4 = vector.load %arg5[%get3A_2, %get3A_3] : memref<2000x2xf32, #tpu.memory_space<vmem>>, vector<2000x1xf32>
    %get3A_5 = arith.constant 0 : index
    %get3A_6 = arith.constant 1 : index
    %get3A_7 = vector.load %arg5[%get3A_5, %get3A_6] : memref<2000x2xf32, #tpu.memory_space<vmem>>, vector<2000x1xf32>
    %add3A = arith.addf %get3A_4, %get3A_7 : vector<2000x1xf32>
    %add3A_8 = arith.constant 1.000000e+00 : f32
    %add3A_9 = vector.broadcast %add3A_8 : f32 to vector<2000x1xf32>
    %add3A_10 = arith.addf %add3A, %add3A_9 : vector<2000x1xf32>
    %rsqrt3A = math.rsqrt %add3A_10 : vector<2000x1xf32>
    %get3A_11 = arith.constant 0 : index
    %get3A_12 = arith.constant 0 : index
    %get3A_13 = vector.load %arg2[%get3A_11, %get3A_12] : memref<256x256xf32, #tpu.memory_space<vmem>>, vector<256x256xf32>
    %dot_general3A = arith.constant dense<0.000000e+00> : vector<2000x256xf32>
    %dot_general3A_14 = tpu.matmul %get3A_1, %get3A_13, %dot_general3A {dimension_numbers = #tpu.dot_dimension_numbers<[1], [0], [0], [1], [0, 0, 1, 1], [], []>, transpose_lhs_hint = false} : vector<2000x256xf32>, vector<256x256xf32>, vector<2000x256xf32> -> vector<2000x256xf32>
    %get3A_15 = arith.constant 0 : index
    %get3A_16 = arith.constant 0 : index
    %get3A_17 = vector.load %arg3[%get3A_15, %get3A_16] : memref<1x256xf32, #tpu.memory_space<vmem>>, vector<1x256xf32>
    %add3A_18 = vector.broadcast %get3A_17 : vector<1x256xf32> to vector<2000x256xf32>
    %add3A_19 = arith.addf %dot_general3A_14, %add3A_18 : vector<2000x256xf32>
    %get3A_20 = arith.constant 0 : index
    %get3A_21 = arith.constant 0 : index
    %get3A_22 = arith.constant 0 : index
    %get3A_23 = vector.load %arg4[%get3A_20, %get3A_21, %get3A_22] : memref<2x2000x128xf32, #tpu.memory_space<vmem>>, vector<1x2000x128xf32>
    %get3A_24 = vector.shape_cast %get3A_23 : vector<1x2000x128xf32> to vector<2000x128xf32>
    %get3A_25 = arith.constant 1 : index
    %get3A_26 = arith.constant 0 : index
    %get3A_27 = arith.constant 0 : index
    %get3A_28 = vector.load %arg4[%get3A_25, %get3A_26, %get3A_27] : memref<2x2000x128xf32, #tpu.memory_space<vmem>>, vector<1x2000x128xf32>
    %get3A_29 = vector.shape_cast %get3A_28 : vector<1x2000x128xf32> to vector<2000x128xf32>
    %concatenate3A = tpu.concatenate %get3A_24, %get3A_29 in 1 : vector<2000x128xf32>, vector<2000x128xf32> -> vector<2000x256xf32>
    %mul3A = vector.broadcast %rsqrt3A : vector<2000x1xf32> to vector<2000x256xf32>
    %mul3A_30 = arith.mulf %mul3A, %concatenate3A : vector<2000x256xf32>
    %add3A_31 = arith.addf %add3A_19, %mul3A_30 : vector<2000x256xf32>
    %tanh3A = math.tanh %add3A_31 : vector<2000x256xf32>
    %mul3A_32 = arith.constant 1.000000e-01 : f32
    %mul3A_33 = vector.broadcast %mul3A_32 : f32 to vector<2000x256xf32>
    %mul3A_34 = arith.mulf %mul3A_33, %tanh3A : vector<2000x256xf32>
    %add3A_35 = arith.addf %get3A_1, %mul3A_34 : vector<2000x256xf32>
    %swap3A = arith.constant 0 : index
    %swap3A_36 = arith.constant 0 : index
    %swap3A_37 = vector.load %arg6[%swap3A, %swap3A_36] : memref<2000x256xf32, #tpu.memory_space<vmem>>, vector<2000x256xf32>
    tpu.vector_store %arg6[%swap3A, %swap3A_36], %add3A_35 {strides = array<i32>} : memref<2000x256xf32, #tpu.memory_space<vmem>>, vector<2000x256xf32>,
    return
  }
  func.func @transform_0(%arg0: i32) -> (i32, i32) {
    %c0_i32 = arith.constant 0 : i32
    %c0_i32_0 = arith.constant 0 : i32
    return %arg0, %c0_i32 : i32, i32
  }
  func.func @transform_1(%arg0: i32) -> (i32, i32) {
    %c0_i32 = arith.constant 0 : i32
    %c0_i32_0 = arith.constant 0 : i32
    %c0_i32_1 = arith.constant 0 : i32
    return %c0_i32, %c0_i32_0 : i32, i32
  }
  func.func @transform_2(%arg0: i32) -> (i32, i32) {
    %c0_i32 = arith.constant 0 : i32
    %c0_i32_0 = arith.constant 0 : i32
    %c0_i32_1 = arith.constant 0 : i32
    return %c0_i32, %c0_i32_0 : i32, i32
  }
  func.func @transform_3(%arg0: i32) -> (i32, i32, i32) {
    %c0_i32 = arith.constant 0 : i32
    %c0_i32_0 = arith.constant 0 : i32
    %c0_i32_1 = arith.constant 0 : i32
    return %c0_i32, %arg0, %c0_i32_0 : i32, i32, i32
  }
  func.func @transform_4(%arg0: i32) -> (i32, i32) {
    %c0_i32 = arith.constant 0 : i32
    %c0_i32_0 = arith.constant 0 : i32
    return %arg0, %c0_i32 : i32, i32
  }
  func.func @transform_5(%arg0: i32) -> (i32, i32) {
    %c0_i32 = arith.constant 0 : i32
    %c0_i32_0 = arith.constant 0 : i32
    return %arg0, %c0_i32 : i32, i32
  }
}

</mosaic_0001>

<sc_bundles>
// kernel: kernel.10.cloned.1.call-start
scs
__scs_entry_jumppad:
0x0: {  	(pc) =	sbr.rel $0x88, $3  }
0x1: {  	(tag) =	ssettag $0x0;
	lr =	simm.s32 $0x1  }
0x2: {  	[smem:$0x3F9C] =	sst lr;
	_ =	strace $0xD0000000  }
0x3: {  	_ = 	snop  }
0x4: {  	_ = 	snop  }
0x5: {  	_ = 	snop  }
0x6: {  	_ = 	snop  }
0x7: {  	_ = 	snop  }
__scs_overlays_trampoline_lowered:
0x8: {  	[smem:$0x3FAB] =	sst s0  }
0x9: {  	[smem:$0x3FAC] =	sst s1  }
0xa: {  	[smem:$0x3FAD] =	sst s2  }
0xb: {  	[smem:$0x3FAE] =	sst s3  }
0xc: {  	[smem:$0x3FAF] =	sst s4  }
0xd: {  	[smem:$0x3FB0] =	sst s5  }
0xe: {  	[smem:$0x3FB1] =	sst s6  }
0xf: {  	[smem:$0x3FB2] =	sst s7  }
0x10: {  	[smem:$0x3FB3] =	sst s8  }
0x11: {  	[smem:$0x3FB4] =	sst s9;
	s0 =	simm.s32 @!p0 $0x0  }
0x12: {  	s1 =	sld [smem:$0x3F9A];
	s0 =	simm.s32 @p0 $0x1  }
0x13: {  	[smem:$0x3FB5] =	sst s0;
	s0 =	simm.s32 @!p1 $0x0  }
0x14: {  	s2 =	sld [smem:$0x3F99];
	s0 =	simm.s32 @p1 $0x1  }
0x15: {  	[smem:$0x3FB6] =	sst s0;
	s0 =	simm.s32 @!p2 $0x0  }
0x16: {  	s3 =	sld [smem:$0x3FDB];
	s0 =	simm.s32 @p2 $0x1  }
0x17: {  	s4 =	simm.s32 $0x1BF5;
	[smem:$0x3FB8] =	sst s0  }
0x18: {  	s0 =	sld [smem:$0x3F9B];
	_ =	swait.ge [sflag:s4], $0x0  }
0x19: {  	s7 =	sld [smem:$0x3F9C]  }
0x1a: {  	s8 =	sadd.s32 $0xFFFFE003, lr  }
0x1b: {  	s9 =	sadd.s32 $0xFFFFFEF7, lr;
	s5 =	simm.s32 $0xFFFFFFFF;
	p2 =	slt.u32 s8, $0xFFFFF086  }
0x1c: {  	p1 =	slt.u32 s9, $0xF7A;
	s5 =	simm.s32 @!p2 $0x0  }
0x1d: {  	s5 =	simm.s32 @p1 $0x1;
	p0 =	seq.s32 s7, s2  }
0x1e: {  	s7 =	smul.u32 @!p0 $0xF7A, s2;
	p2 =	seq.s32 @!p0 s5, $0x0  }
0x1f: {  	s9 =	smul.u32 $0xF7A, s1;
	s8 =	simm.s32 @!p0 $0x1BF5;
	p2 =	por !p2, p0  }
0x20: {  	[sflag:s8] =	ssyncset.s32 @!p0 $0xFFFFF086;
	s6 =	sadd.s32 @!p0 s3, s7;
	s7 =	simm.s32 @!p0 $0x108  }
0x21: {  	s3 =	sadd.s32 s3, s9;
	s6 =	sadd.s32 @!p0 $0x88, s6;
	s7 =	simm.s32 @p2 $0x1082  }
0x22: {  	[simem:s7], [sflag:s8] =	dma.local @!p0 [hbm:s6], $0xF7A  }
0x23: {  	s9 =	sor.u32 $0xD0000000, s2;
	s6 =	simm.s32 $0x108;
	_ =	swait.ge @!p0 [sflag:s8], $0x0  }
0x24: {  	s3 =	sadd.s32 $0x88, s3;
	s6 =	simm.s32 @!p1 $0x1082;
	[sflag:s4] =	ssyncset.s32 $0xFFFFF086  }
0x25: {  	[simem:s6], [sflag:s4] =	dma.local [hbm:s3], $0xF7A  }
0x26: {  	[smem:$0x3F9C] =	sst s1;
	(tag) =	ssettag s2;
	_ =	strace s9  }
0x27: {  	s1 =	sld [smem:$0x3FAC]  }
0x28: {  	s2 =	sld [smem:$0x3FAD]  }
0x29: {  	s4 =	sld [smem:$0x3FAF]  }
0x2a: {  	p0 =	seq.s32 s5, $0x0;
	s5 =	sld [smem:$0x3FB0]  }
0x2b: {  	s6 =	sld [smem:$0x3FB1]  }
0x2c: {  	s7 =	sld [smem:$0x3FB2]  }
0x2d: {  	s3 =	simm.s32 $0x108;
	s8 =	sld [smem:$0x3FB3]  }
0x2e: {  	s3 =	simm.s32 @!p0 $0x1082;
	s9 =	sld [smem:$0x3FB4]  }
0x2f: {  	lr =	sadd.s32 s0, s3;
	s0 =	sld [smem:$0x3FAB]  }
0x30: {  	s3 =	sld [smem:$0x3FAE]  }
0x31: {  	[smem:$0x3FB7] =	sst s10  }
0x32: {  	s10 =	sld [smem:$0x3FB5];
	_ =	sdelay $0x3  }
0x33: {  	p0 =	seq.s32 s10, $0x1;
	s10 =	sld [smem:$0x3FB7];
	_ =	sdelay $0x3  }
0x34: {  	[smem:$0x3FB7] =	sst s10  }
0x35: {  	s10 =	sld [smem:$0x3FB6];
	_ =	sdelay $0x3  }
0x36: {  	p1 =	seq.s32 s10, $0x1;
	s10 =	sld [smem:$0x3FB7];
	_ =	sdelay $0x3  }
0x37: {  	[smem:$0x3FB7] =	sst s10  }
0x38: {  	s10 =	sld [smem:$0x3FB8]  }
0x39: {  	_ = 	snop;
	(pc) =	sbr.ind lr, $3  }
0x3a: {  	_ = 	snop  }
0x3b: {  	_ = 	snop  }
0x3c: {  	p2 =	seq.s32 s10, $0x1;
	s10 =	sld [smem:$0x3FB7]  }
0x3d: {  	_ =	shalt  }
0x3e: {  	_ =	shalt  }
0x3f: {  	_ =	shalt  }
0x40: {  	_ =	shalt  }
0x41: {  	_ =	shalt  }
0x42: {  	_ =	shalt  }
0x43: {  	_ =	shalt  }
0x44: {  	_ =	shalt  }
0x45: {  	_ =	shalt  }
0x46: {  	_ =	shalt  }
0x47: {  	_ =	shalt  }
0x48: {  	_ =	shalt  }
0x49: {  	_ =	shalt  }
0x4a: {  	_ =	shalt  }
0x4b: {  	_ =	shalt  }
0x4c: {  	_ =	shalt  }
0x4d: {  	_ =	shalt  }
0x4e: {  	_ =	shalt  }
0x4f: {  	_ =	shalt  }
0x50: {  	_ =	shalt  }
0x51: {  	_ =	shalt  }
0x52: {  	_ =	shalt  }
0x53: {  	_ =	shalt  }
0x54: {  	_ =	shalt  }
0x55: {  	_ =	shalt  }
0x56: {  	_ =	shalt  }
0x57: {  	_ =	shalt  }
0x58: {  	_ =	shalt  }
0x59: {  	_ =	shalt  }
0x5a: {  	_ =	shalt  }
0x5b: {  	_ =	shalt  }
0x5c: {  	_ =	shalt  }
0x5d: {  	_ =	shalt  }
0x5e: {  	_ =	shalt  }
0x5f: {  	_ =	shalt  }
0x60: {  	_ =	shalt  }
0x61: {  	_ =	shalt  }
0x62: {  	_ =	shalt  }
0x63: {  	_ =	shalt  }
0x64: {  	_ =	shalt  }
0x65: {  	_ =	shalt  }
0x66: {  	_ =	shalt  }
0x67: {  	_ =	shalt  }
0x68: {  	_ =	shalt  }
0x69: {  	_ =	shalt  }
0x6a: {  	_ =	shalt  }
0x6b: {  	_ =	shalt  }
0x6c: {  	_ =	shalt  }
0x6d: {  	_ =	shalt  }
0x6e: {  	_ =	shalt  }
0x6f: {  	_ =	shalt  }
0x70: {  	_ =	shalt  }
0x71: {  	_ =	shalt  }
0x72: {  	_ =	shalt  }
0x73: {  	_ =	shalt  }
0x74: {  	_ =	shalt  }
0x75: {  	_ =	shalt  }
0x76: {  	_ =	shalt  }
0x77: {  	_ =	shalt  }
0x78: {  	_ =	shalt  }
0x79: {  	_ =	shalt  }
0x7a: {  	_ =	shalt  }
0x7b: {  	_ =	shalt  }
0x7c: {  	_ =	shalt  }
0x7d: {  	_ =	shalt  }
0x7e: {  	_ =	shalt  }
0x7f: {  	_ =	shalt  }
0x80: {  	_ =	shalt  }
0x81: {  	_ =	shalt  }
0x82: {  	_ =	shalt  }
0x83: {  	_ =	shalt  }
0x84: {  	_ =	shalt  }
0x85: {  	_ =	shalt  }
0x86: {  	_ =	shalt  }
0x87: {  	_ =	shalt  }
.Lfunc_end0:
.L_simem_size_0:
called_computation.1_lowered:
.L_overlay_start_0:
0x88: {  	s2 =	sld [smem:$0x3FD9]  }
0x89: {  	s3 =	sld [smem:$0x3FFE];
	_ =	sdelay $0x1  }
0x8a: {  	s1 =	srdreg.scid  }
0x8b: {  	s0 =	sand.u32 $0x1, s1  }
0x8c: {  	s17 =	sshll.u32 s0, $0xA;
	s2 =	sadd.s32 s3, s2  }
0x8d: {  	s2 =	sadd.s32 s2, s17  }
0x8e: {  	[smem:$0x3FC3] =	sst s2  }
0x8f: {  	_ = 	snop  }
0x90: {  	s2 =	sld [smem:$0x3FD0];
	(tm) =	ssettm $0x1  }
0x91: {  	s18 =	sld [smem:$0x3FFB];
	_ =	sdelay $0x3  }
0x92: {  	_ =	strace s18  }
0x93: {  	s3 =	sld [smem:$0x3FFC];
	_ =	sdelay $0x3  }
0x94: {  	_ =	strace s3  }
0x95: {  	s3 =	sld [smem:$0x3FFD];
	_ =	sdelay $0x3  }
0x96: {  	_ =	strace s3  }
0x97: {  	_ =	strace $0x8FFFFFFF  }
0x98: {  	s19 =	sld [smem:$0x3FDB];
	_ =	sdelay $0x1  }
0x99: {  	s4 =	simm.s32 $_scs_section_size  }
0x9a: {  	s5 =	simm.s32 $_size__tile_overlayer_lowered;
	s6 =	simm.s32 $_tile_overlayer_lowered  }
0x9b: {  	s22 =	simm.s32 $0x1BFF;
	s21 =	sshll.u32 s6, $0x1;
	s3 =	sadd.s32 s4, s19  }
0x9c: {  	s7 =	simm.s32 $0x0;
	s20 =	sshll.u32 s5, $0x1;
	s5 =	sadd.s32 s21, s3  }
0x9d: {  	[timem:s7], [sflag:s22] =	dma.local [hbm:s5], s20  }
0x9e: {  	_ =	swait.ge [sflag:s22], s20  }
0x9f: {  	s4 =	ssub.s32 $0x0, s20;
	[sflag:s22] =	ssyncset.done $0x0  }
0xa0: {  	[sflag:s22] =	ssyncadd.s32 s4;
	_ =	sdelay $0x1  }
0xa1: {  	s23 =	simm.s32 $0x1B8B  }
0xa2: {  	_ =	swait.ge [sflag:s23], $0x1  }
0xa3: {  	[sflag:s23] =	ssyncset.done $0x0  }
0xa4: {  	s25 =	simm.s32 $0x1B8E;
	s24 =	sld [smem:$0x3FFE];
	[sflag:s23] =	ssyncadd.s32 $0xFFFFFFFF  }
0xa5: {  	s26 =	simm.s32 $execute0_lowered;
	[smem:$0x3FD2] =	sst s25  }
0xa6: {  	s5 =	sshll.u32 s26, $0x1;
	_ =	strace $0x80000049;
	[dreg:$0x1] =	wrdreg $0xFFFFFFFF  }
0xa7: {  	s28 =	simm.s32 $_size_execute0_lowered;
	s3 =	sadd.s32 s3, s5;
	[dreg:$0x0] =	wrdreg $0x0  }
0xa8: {  	s5 =	sshll.u32 s28, $0x1;
	[dreg:$0x2] =	wrdreg s3  }
0xa9: {  	[dreg:$0x3] =	wrdreg s5  }
0xaa: {  	[dreg:$0x4] =	wrdreg $0xC0  }
0xab: {  	_ =	task [dreg:s7], $0x5FFFF  }
0xac: {  	[dreg:$0x1] =	wrdreg $0xFFFFFFFF  }
0xad: {  	[dreg:$0x0] =	wrdreg $0x60  }
0xae: {  	[dreg:$0x2] =	wrdreg s2  }
0xaf: {  	[dreg:$0x3] =	wrdreg s24  }
0xb0: {  	[dreg:$0x4] =	wrdreg $0xA9000  }
0xb1: {  	[dreg:$0x5] =	wrdreg $0x9  }
0xb2: {  	_ =	task.clear_ibuf [dreg:s7], $0x6FFFF;
	_ =	strace $0x90000049  }
0xb3: {  	s29 =	simm.s32 $0x9;
	_ =	strace $0x8000004B  }
0xb4: {  	_ =	swait.ge [sflag:s29], $0x1  }
0xb5: {  	[sflag:s29] =	ssyncadd.s32 $0xFFFFFFFF  }
0xb6: {  	_ =	strace $0x9000004B  }
0xb7: {  	_ =	sfence  }
0xb8: {  	s30 =	sld [smem:$0x0];
	_ =	sdelay $0x2  }
0xb9: {  	s31 =	sshll.u32 s1, $0xD;
	s1 =	sshrl.u32 s1, $0x2  }
0xba: {  	s3 =	sand.u32 $0x4000, s31;
	s1 =	sadd.s32 s1, s30  }
0xbb: {  	s0 =	sor.u32 s3, s0;
	s1 =	sshll.u32 s1, $0x11  }
0xbc: {  	s0 =	sor.u32 s1, s0  }
0xbd: {  	s0 =	sadd.s32 $0x8F2B, s0  }
0xbe: {  	[sflag:s0] =	ssyncadd.remote.s32 $0x1  }
0xbf: {  	_ =	sfence.sel $0xFFFF  }
0xc0: {  	[dreg:$0x0] =	wrdreg $0xFFFFFFFF;
	(pc) =	sbr.abs _section_cstart, $3  }
0xc1: {  	[dreg:$0x1] =	wrdreg $0xFFFFFFFF  }
0xc2: {  	_ =	task.clear_ibuf [dreg:s7], $0x2FFFF;
	_ =	strace $0x9FFFFFFF  }
0xc3: {  	(tm) =	ssettm $0x7FFFFFFF  }
tec
execute0_lowered:
.L_overlay_start_1:
0x0: {  	(tag) =	ssettag $0x1  }
0x1: {  	s0 =	rddreg [dreg:$0x0]  }
0x2: {  	s12 =	stileid.u32;
	s5 =	rddreg [dreg:$0x1]  }
0x3: {  	s1 =	srdreg.scid;
	s3 =	rddreg [dreg:$0x2];
	s4 =	simm.s32 $0x0  }
0x4: {  	s18 =	simm.s32 $0x2800;
	s28 =	simm.s32 $0x1;
	s2 =	smul.u32 $0x2800, s12  }
0x5: {  	s29 =	simm.s32 $0x3;
	s30 =	simm.s32 $0x2;
	s7 =	smul.u32 $0x14000, s12  }
0x6: {  	s31 =	simm.s32 $0x4;
	s1 =	sand.u32 $0x1, s1;
	s10 =	smul.u32 $0x50000, s12  }
0x7: {  	[smem:$0x7FF] =	sst s4;
	p0 =	seq.s32 s12, $0xF;
	s6 =	smul.u32 $0x140000, s1  }
0x8: {  	_ =	strace $0x8000004A;
	s19 =	ssub.s32 $0x2, s1;
	s1 =	smul.u32 $0x27100, s1  }
0x9: {  	s9 =	sshrl.u32 s2, $0x3;
	s11 =	sshrl.u32 s19, $0x1;
	s21 =	sshrl.u32 s10, $0x2  }
0xa: {  	s8 =	sadd.s32 s9, s5;
	s6 =	sadd.s32 s7, s6;
	s11 =	ssub.s32 s19, s11  }
0xb: {  	s10 =	sadd.s32 s21, s3;
	s7 =	sadd.s32 s0, s1;
	s0 =	sadd.s32 $0x12C000, s3  }
0xc: {  	s22 =	sor.u32 $0x10, s9;
	s25 =	sadd.s32 $0x4F0, s9;
	s26 =	sadd.s32 $0x4E0, s9  }
0xd: {  	s21 =	simm.s32 $0x7D;
	s1 =	simm.s32 $0x5;
	s6 =	sshrl.u32 s6, $0x3  }
0xe: {  	s20 =	sadd.s32 $0x2000, s8;
	s8 =	sadd.s32 $0x7000, s5;
	s24 =	smax.u32 s11, $0x1  }
0xf: {  	s11 =	simm.s32 $0x7;
	s13 =	sadd.s32 @p0 $0x25800, s7;
	[dreg:$0x4] =	wrdreg s20  }
0x10: {  	s0 =	sshrl.u32 @p0 s0, $0x3;
	s15 =	smov.u32 s10;
	[dreg:$0x6] =	wrdreg s24  }
0x11: {  	s16 =	sshrl.u32 @!p0 s10, $0x3;
	s6 =	sadd.s32 s6, s5;
	[dreg:$0x7] =	wrdreg s13  }
0x12: {  	[dreg:$0x8] =	wrdreg s0;
	s0 =	sadd.s32 @!p0 s2, s7;
	s17 =	sadd.s32 s9, s8  }
0x13: {  	s19 =	sadd.s32 s8, s22;
	s20 =	simm.s32 $0x2880;
	s22 =	simm.s32 $0x2900  }
0x14: {  	s24 =	sadd.s32 s8, s26;
	s25 =	sadd.s32 s8, s25;
	s26 =	simm.s32 $0x6900  }
0x15: {  	s23 =	sadd.s32 $0xC000, s6;
	[dreg:$0x9] =	wrdreg s0;
	s0 =	sshll.u32 @!p0 s12, $0x6  }
0x16: {  	s5 =	simm.s32 $0x0;
	[dreg:$0x5] =	wrdreg s23;
	s0 =	sor.u32 @!p0 $0x1C07, s0  }
0x17: {  	s23 =	simm.s32 $0x2780;
	[dreg:$0xa] =	wrdreg s0;
	s0 =	simm.s32 $0x6  }
.LBB2_1:
0x18: {  	s6 =	rddreg [dreg:$0x4]  }
0x19: {  	[tilespmem:s4], [sflag:$0x7] =	stream.linear.gather [hbm4b:s6+s4], $0x2800, $0x38;
	[tilespmem:$0x1E900] =	vst v63  }
0x1a: {  	_ =	swait.ge [sflag:s11], $0x2800  }
0x1b: {  	[sflag:s11] =	ssyncset.done $0x0;
	s9 =	rddreg [dreg:$0x7]  }
0x1c: {  	s6 =	simm.s32 @p0 $0x1FC7;
	s10 =	rddreg [dreg:$0x8];
	[sflag:s11] =	ssyncadd.s32 $0xFFFFD800  }
0x1d: {  	[spmem:s10], [sflag:s6] =	dma.local @p0 [hbm:s9], $0x1900  }
0x1e: {  	s6 =	simm.s32 @p0 $0x7  }
0x1f: {  	_ =	swait.ge @p0 [sflag:s6], $0x1900  }
0x20: {  	[sflag:s6] =	ssyncset.done @p0 $0x0;
	s9 =	rddreg [dreg:$0xa]  }
0x21: {  	[sflag:s6] =	ssyncadd.s32 @p0 $0xFFFFE700;
	s6 =	rddreg [dreg:$0x9]  }
0x22: {  	[spmem:s16], [sflag:s9] =	dma.local @!p0 [hbm:s6], $0x2800  }
0x23: {  	s6 =	simm.s32 @!p0 $0x7  }
0x24: {  	_ =	swait.ge @!p0 [sflag:s6], $0x2800  }
0x25: {  	[sflag:s6] =	ssyncset.done @!p0 $0x0  }
0x26: {  	[sflag:s6] =	ssyncadd.s32 @!p0 $0xFFFFD800  }
0x27: {  	[bflag:$0x0] =	sbarrier.arrive $0xFFFF  }
0x28: {  	[tilespmem:s18], [sflag:$0x3] =	stream.linear.gather [hbm4b:s17+s4], $0x80, $0x38;
	[tilespmem:$0x1E900] =	vst v63  }
0x29: {  	_ = 	snop  }
0x2a: {  	[tilespmem:s20], [sflag:$0x4] =	stream.linear.gather [hbm4b:s19+s4], $0x80, $0x38;
	[tilespmem:$0x1E900] =	vst v63  }
0x2b: {  	_ = 	snop  }
0x2c: {  	[tilespmem:s22], [sflag:$0x1] =	stream.indirect.gather [hbm4b:s7+s21], $0x80, s4, s21, $0xb8;
	[tilespmem:$0x1E900] =	vst v63  }
0x2d: {  	s10 =	simm.s32 $0x80  }
0x2e: {  	[tilespmem:s26], [sflag:$0x2] =	stream.indirect.gather [hbm4b:s7+s21], $0x80, s10, s21, $0xb8;
	[tilespmem:$0x1E900] =	vst v63  }
0x2f: {  	_ =	swait.ge [sflag:s28], $0x3E80  }
0x30: {  	[sflag:s28] =	ssyncset.done $0x0  }
0x31: {  	[sflag:s28] =	ssyncadd.s32 $0xFFFFC180  }
0x32: {  	_ =	swait.ge [sflag:s29], $0x80  }
0x33: {  	[sflag:s29] =	ssyncset.done $0x0  }
0x34: {  	[sflag:s29] =	ssyncadd.s32 $0xFFFFFF80  }
0x35: {  	[spmem:s3] =	stream.indirect.scatter.add.f32 [tilespmem:s22], [sflag:$0x5], $0x80, s18, s21, $0xb8;
	[tilespmem:$0x1E900] =	vst v63  }
0x36: {  	_ =	swait.ge [sflag:s30], $0x3E80  }
0x37: {  	[sflag:s30] =	ssyncset.done $0x0  }
0x38: {  	[sflag:s30] =	ssyncadd.s32 $0xFFFFC180  }
0x39: {  	s12 =	simm.s32 $0x100;
	_ =	swait.ge [sflag:s31], $0x80  }
0x3a: {  	s13 =	sand.u32 $0x7C00, s12;
	[sflag:s31] =	ssyncset.done $0x0  }
0x3b: {  	s9 =	sadd.s32 s2, s13;
	s6 =	sand.u32 $0x300, s12;
	[sflag:s31] =	ssyncadd.s32 $0xFFFFFF80  }
0x3c: {  	[spmem:s3] =	stream.indirect.scatter.add.f32 [tilespmem:s26], [sflag:$0x6], $0x80, s20, s21, $0xb8;
	[tilespmem:$0x1E900] =	vst v63  }
0x3d: {  	s6 =	sor.u32 s6, s9;
	_ =	swait.ge [sflag:s1], $0x3E80  }
0x3e: {  	s14 =	simm.s32 $0x180;
	s6 =	sshrl.u32 s6, $0x3;
	[sflag:s1] =	ssyncset.done $0x0  }
0x3f: {  	s12 =	sand.u32 $0x7C00, s14;
	s6 =	sadd.s32 s8, s6;
	[sflag:s1] =	ssyncadd.s32 $0xFFFFC180  }
0x40: {  	[tilespmem:s18], [sflag:$0x3] =	stream.linear.gather [hbm4b:s6+s4], $0x80, $0x38;
	[tilespmem:$0x1E900] =	vst v63  }
0x41: {  	s13 =	simm.s32 $0x100;
	s9 =	sand.u32 $0x380, s14;
	s10 =	sadd.s32 s2, s12  }
0x42: {  	[tilespmem:s22], [sflag:$0x1] =	stream.indirect.gather [hbm4b:s7+s21], $0x80, s13, s21, $0xb8;
	[tilespmem:$0x1E900] =	vst v63  }
0x43: {  	s14 =	sor.u32 s9, s10;
	_ =	swait.ge [sflag:s0], $0x3E80  }
0x44: {  	s6 =	sshrl.u32 s14, $0x3;
	[sflag:s0] =	ssyncset.done $0x0  }
0x45: {  	s6 =	sadd.s32 s8, s6;
	[sflag:s0] =	ssyncadd.s32 $0xFFFFC180  }
0x46: {  	[tilespmem:s20], [sflag:$0x4] =	stream.linear.gather [hbm4b:s6+s4], $0x80, $0x38;
	[tilespmem:$0x1E900] =	vst v63  }
0x47: {  	s10 =	simm.s32 $0x180;
	s9 =	simm.s32 $0x280;
	s6 =	simm.s32 $0x200  }
.LBB2_2:
0x48: {  	s12 =	sadd.s32 $0x80, s6  }
0x49: {  	p1 =	sne.s32 s9, $0x2680;
	s13 =	smov.u32 s9;
	s9 =	sadd.s32 $0x100, s9  }
0x4a: {  	[tilespmem:s26], [sflag:$0x2] =	stream.indirect.gather [hbm4b:s7+s21], $0x80, s10, s21, $0xb8;
	[tilespmem:$0x1E900] =	vst v63  }
0x4b: {  	s10 =	smov.u32 s12;
	_ =	swait.ge [sflag:s28], $0x3E80  }
0x4c: {  	[sflag:s28] =	ssyncset.done $0x0  }
0x4d: {  	[sflag:s28] =	ssyncadd.s32 $0xFFFFC180  }
0x4e: {  	_ =	swait.ge [sflag:s29], $0x80  }
0x4f: {  	[sflag:s29] =	ssyncset.done $0x0  }
0x50: {  	[sflag:s29] =	ssyncadd.s32 $0xFFFFFF80  }
0x51: {  	[spmem:s3] =	stream.indirect.scatter.add.f32 [tilespmem:s22], [sflag:$0x5], $0x80, s18, s21, $0xb8;
	[tilespmem:$0x1E900] =	vst v63  }
0x52: {  	_ =	swait.ge [sflag:s30], $0x3E80  }
0x53: {  	[sflag:s30] =	ssyncset.done $0x0  }
0x54: {  	[sflag:s30] =	ssyncadd.s32 $0xFFFFC180  }
0x55: {  	_ =	swait.ge [sflag:s31], $0x80  }
0x56: {  	s12 =	sadd.s32 $0xFFFFFF80, s13;
	[sflag:s31] =	ssyncset.done $0x0  }
0x57: {  	s14 =	sand.u32 $0x7C00, s12;
	s12 =	sand.u32 $0x300, s12;
	[sflag:s31] =	ssyncadd.s32 $0xFFFFFF80  }
0x58: {  	[spmem:s3] =	stream.indirect.scatter.add.f32 [tilespmem:s26], [sflag:$0x6], $0x80, s20, s21, $0xb8;
	[tilespmem:$0x1E900] =	vst v63  }
0x59: {  	s14 =	sadd.s32 s2, s14;
	_ =	swait.ge [sflag:s1], $0x3E80  }
0x5a: {  	s12 =	sor.u32 s12, s14;
	[sflag:s1] =	ssyncset.done $0x0  }
0x5b: {  	s12 =	sshrl.u32 s12, $0x3;
	[sflag:s1] =	ssyncadd.s32 $0xFFFFC180  }
0x5c: {  	s14 =	sand.u32 $0x7C00, s13;
	s12 =	sadd.s32 s8, s12  }
0x5d: {  	[tilespmem:s18], [sflag:$0x3] =	stream.linear.gather [hbm4b:s12+s4], $0x80, $0x38;
	[tilespmem:$0x1E900] =	vst v63  }
0x5e: {  	s13 =	sand.u32 $0x380, s13;
	s12 =	sadd.s32 s2, s14  }
0x5f: {  	[tilespmem:s22], [sflag:$0x1] =	stream.indirect.gather [hbm4b:s7+s21], $0x80, s6, s21, $0xb8;
	[tilespmem:$0x1E900] =	vst v63  }
.Ltmp0:
0x60: {  	_ = 	snop;
	(pc) =	sbr.rel @p1 .LBB2_2-.Ltmp0, $4  }
0x61: {  	s12 =	sor.u32 s13, s12;
	_ =	swait.ge [sflag:s0], $0x3E80  }
0x62: {  	s12 =	sshrl.u32 s12, $0x3;
	[sflag:s0] =	ssyncset.done $0x0  }
0x63: {  	s6 =	sadd.s32 $0x100, s6;
	s12 =	sadd.s32 s8, s12;
	[sflag:s0] =	ssyncadd.s32 $0xFFFFC180  }
0x64: {  	[tilespmem:s20], [sflag:$0x4] =	stream.linear.gather [hbm4b:s12+s4], $0x80, $0x38;
	[tilespmem:$0x1E900] =	vst v63  }
0x65: {  	[tilespmem:s26], [sflag:$0x2] =	stream.indirect.gather [hbm4b:s7+s21], $0x80, s10, s21, $0xb8;
	[tilespmem:$0x1E900] =	vst v63  }
0x66: {  	_ =	swait.ge [sflag:s28], $0x3E80  }
0x67: {  	[sflag:s28] =	ssyncset.done $0x0  }
0x68: {  	[sflag:s28] =	ssyncadd.s32 $0xFFFFC180  }
0x69: {  	_ =	swait.ge [sflag:s29], $0x80  }
0x6a: {  	[sflag:s29] =	ssyncset.done $0x0  }
0x6b: {  	[sflag:s29] =	ssyncadd.s32 $0xFFFFFF80  }
0x6c: {  	[spmem:s3] =	stream.indirect.scatter.add.f32 [tilespmem:s22], [sflag:$0x5], $0x80, s18, s21, $0xb8;
	[tilespmem:$0x1E900] =	vst v63  }
0x6d: {  	_ =	swait.ge [sflag:s30], $0x3E80  }
0x6e: {  	[sflag:s30] =	ssyncset.done $0x0  }
0x6f: {  	[sflag:s30] =	ssyncadd.s32 $0xFFFFC180  }
0x70: {  	_ =	swait.ge [sflag:s31], $0x80  }
0x71: {  	[sflag:s31] =	ssyncset.done $0x0  }
0x72: {  	[sflag:s31] =	ssyncadd.s32 $0xFFFFFF80  }
0x73: {  	[spmem:s3] =	stream.indirect.scatter.add.f32 [tilespmem:s26], [sflag:$0x6], $0x80, s20, s21, $0xb8;
	[tilespmem:$0x1E900] =	vst v63  }
0x74: {  	_ =	swait.ge [sflag:s1], $0x3E80  }
0x75: {  	[sflag:s1] =	ssyncset.done $0x0  }
0x76: {  	[sflag:s1] =	ssyncadd.s32 $0xFFFFC180  }
0x77: {  	[tilespmem:s18], [sflag:$0x3] =	stream.linear.gather [hbm4b:s24+s4], $0x80, $0x38;
	[tilespmem:$0x1E900] =	vst v63  }
0x78: {  	s6 =	simm.s32 $0x2700  }
0x79: {  	[tilespmem:s22], [sflag:$0x1] =	stream.indirect.gather [hbm4b:s7+s21], $0x80, s6, s21, $0xb8;
	[tilespmem:$0x1E900] =	vst v63  }
0x7a: {  	_ =	swait.ge [sflag:s0], $0x3E80  }
0x7b: {  	[sflag:s0] =	ssyncset.done $0x0  }
0x7c: {  	[sflag:s0] =	ssyncadd.s32 $0xFFFFC180  }
0x7d: {  	[tilespmem:s20], [sflag:$0x4] =	stream.linear.gather [hbm4b:s25+s4], $0x80, $0x38;
	[tilespmem:$0x1E900] =	vst v63  }
0x7e: {  	_ = 	snop  }
0x7f: {  	[tilespmem:s26], [sflag:$0x2] =	stream.indirect.gather [hbm4b:s7+s21], $0x80, s23, s21, $0xb8;
	[tilespmem:$0x1E900] =	vst v63  }
0x80: {  	_ =	swait.ge [sflag:s28], $0x3E80  }
0x81: {  	[sflag:s28] =	ssyncset.done $0x0  }
0x82: {  	[sflag:s28] =	ssyncadd.s32 $0xFFFFC180  }
0x83: {  	_ =	swait.ge [sflag:s29], $0x80  }
0x84: {  	[sflag:s29] =	ssyncset.done $0x0  }
0x85: {  	[sflag:s29] =	ssyncadd.s32 $0xFFFFFF80  }
0x86: {  	[spmem:s3] =	stream.indirect.scatter.add.f32 [tilespmem:s22], [sflag:$0x5], $0x80, s18, s21, $0xb8;
	[tilespmem:$0x1E900] =	vst v63  }
0x87: {  	_ =	swait.ge [sflag:s30], $0x3E80  }
0x88: {  	[sflag:s30] =	ssyncset.done $0x0  }
0x89: {  	[sflag:s30] =	ssyncadd.s32 $0xFFFFC180  }
0x8a: {  	_ =	swait.ge [sflag:s31], $0x80  }
0x8b: {  	[sflag:s31] =	ssyncset.done $0x0  }
0x8c: {  	[sflag:s31] =	ssyncadd.s32 $0xFFFFFF80  }
0x8d: {  	[spmem:s3] =	stream.indirect.scatter.add.f32 [tilespmem:s26], [sflag:$0x6], $0x80, s20, s21, $0xb8;
	[tilespmem:$0x1E900] =	vst v63  }
0x8e: {  	_ =	swait.ge [sflag:s1], $0x3E80  }
0x8f: {  	[sflag:s1] =	ssyncset.done $0x0  }
0x90: {  	[sflag:s1] =	ssyncadd.s32 $0xFFFFC180  }
0x91: {  	[tilespmem:s18], [sflag:$0x3] =	stream.linear.gather [hbm4b:s25+s4], $0x80, $0x38;
	[tilespmem:$0x1E900] =	vst v63  }
0x92: {  	_ = 	snop  }
0x93: {  	[tilespmem:s22], [sflag:$0x1] =	stream.indirect.gather [hbm4b:s7+s21], $0x80, s23, s21, $0xb8;
	[tilespmem:$0x1E900] =	vst v63  }
0x94: {  	_ =	swait.ge [sflag:s0], $0x3E80  }
0x95: {  	[sflag:s0] =	ssyncset.done $0x0  }
0x96: {  	[sflag:s0] =	ssyncadd.s32 $0xFFFFC180  }
0x97: {  	[tilespmem:s20], [sflag:$0x4] =	stream.linear.gather [hbm4b:s25+s4], $0x80, $0x38;
	[tilespmem:$0x1E900] =	vst v63  }
0x98: {  	_ = 	snop  }
0x99: {  	[tilespmem:s26], [sflag:$0x2] =	stream.indirect.gather [hbm4b:s7+s21], $0x80, s23, s21, $0xb8;
	[tilespmem:$0x1E900] =	vst v63  }
0x9a: {  	_ =	swait.ge [sflag:s28], $0x3E80  }
0x9b: {  	[sflag:s28] =	ssyncset.done $0x0  }
0x9c: {  	[sflag:s28] =	ssyncadd.s32 $0xFFFFC180  }
0x9d: {  	_ =	swait.ge [sflag:s30], $0x3E80  }
0x9e: {  	[sflag:s30] =	ssyncset.done $0x0  }
0x9f: {  	[sflag:s30] =	ssyncadd.s32 $0xFFFFC180  }
0xa0: {  	_ =	swait.ge [sflag:s29], $0x80  }
0xa1: {  	[sflag:s29] =	ssyncset.done $0x0  }
0xa2: {  	[sflag:s29] =	ssyncadd.s32 $0xFFFFFF80  }
0xa3: {  	_ =	swait.ge [sflag:s31], $0x80  }
0xa4: {  	[sflag:s31] =	ssyncset.done $0x0  }
0xa5: {  	s12 =	stileid.u32;
	[sflag:s31] =	ssyncadd.s32 $0xFFFFFF80  }
0xa6: {  	s6 =	sshll.u32 s12, $0x6;
	[bflag:$0x0] =	sbarrier.arrive $0xFFFF  }
0xa7: {  	s9 =	sshrl.u32 s15, $0x3;
	s6 =	sor.u32 $0x1C07, s6;
	s13 =	rddreg [dreg:$0x5]  }
0xa8: {  	[hbm:s13], [sflag:s6] =	dma.local [spmem:s9], $0x2800  }
0xa9: {  	_ =	swait.ge [sflag:s11], $0x2800  }
0xaa: {  	s5 =	sadd.s32 $0x1, s5;
	s14 =	rddreg [dreg:$0x6]  }
0xab: {  	p1 =	sne.s32 s5, s14  }
.Ltmp1:
0xac: {  	_ = 	snop;
	(pc) =	sbr.rel @p1 .LBB2_1-.Ltmp1, $3  }
0xad: {  	_ =	sdelay $0x1  }
0xae: {  	[sflag:s11] =	ssyncset.done $0x0  }
0xaf: {  	[sflag:s11] =	ssyncadd.s32 $0xFFFFD800  }
0xb0: {  	_ =	sfence.sel $0x180000  }
0xb1: {  	[bflag:$0x0] =	sbarrier.arrive $0xFFFF  }
0xb2: {  	_ =	strace $0x9000004A  }
0xb3: {  	s0 =	stileid.u32;
	[bflag:$0x2] =	sbarrier.arrive $0xFFFF  }
0xb4: {  	p0 =	sne.s32 s0, $0x0;
	s0 =	rddreg [dreg:$0x3]  }
0xb5: {  	s0 =	sadd.s32 @!p0 $0x100000, s0  }
0xb6: {  	[sflag:s0] =	ssyncadd.tile.s32 @!p0 $0x1;
	_ =	shalt  }
.Lfunc_end2:
_tile_overlayer_lowered:
.L_overlay_start_2:
0xb7: {  	(tag) =	ssettag $0x2  }
0xb8: {  	s0 =	rddreg [dreg:$0x0];
	s2 =	stileid.u32  }
0xb9: {  	s1 =	rddreg [dreg:$0x1];
	p0 =	sne.s32 s2, $0x0  }
0xba: {  	s3 =	rddreg [dreg:$0x2];
	[bflag:$0x3] =	sbarrier.arrive $0xFFFF;
	s2 =	simm.s32 @!p0 $0x1C07  }
0xbb: {  	[timem:s3], [sflag:s2] =	dma.local @!p0 [hbm:s0], s1  }
0xbc: {  	s0 =	simm.s32 @!p0 $0x7  }
0xbd: {  	_ =	swait.ge @!p0 [sflag:s0], s1  }
0xbe: {  	s1 =	ssub.s32 @!p0 $0x0, s1;
	[sflag:s0] =	ssyncset.done @!p0 $0x0  }
0xbf: {  	[sflag:s0] =	ssyncadd.s32 @!p0 s1  }
0xc0: {  	[bflag:$0x3] =	sbarrier.arrive $0xFFFF  }
0xc1: {  	_ =	shalt  }

// kernel: kernel.7.cloned.1.call-start
scs
__scs_entry_jumppad:
0x0: {  	(pc) =	sbr.rel $0x88, $3  }
0x1: {  	(tag) =	ssettag $0x0;
	lr =	simm.s32 $0x1  }
0x2: {  	[smem:$0x3F9C] =	sst lr;
	_ =	strace $0xD0000000  }
0x3: {  	_ = 	snop  }
0x4: {  	_ = 	snop  }
0x5: {  	_ = 	snop  }
0x6: {  	_ = 	snop  }
0x7: {  	_ = 	snop  }
__scs_overlays_trampoline_lowered:
0x8: {  	[smem:$0x3FAB] =	sst s0  }
0x9: {  	[smem:$0x3FAC] =	sst s1  }
0xa: {  	[smem:$0x3FAD] =	sst s2  }
0xb: {  	[smem:$0x3FAE] =	sst s3  }
0xc: {  	[smem:$0x3FAF] =	sst s4  }
0xd: {  	[smem:$0x3FB0] =	sst s5  }
0xe: {  	[smem:$0x3FB1] =	sst s6  }
0xf: {  	[smem:$0x3FB2] =	sst s7  }
0x10: {  	[smem:$0x3FB3] =	sst s8  }
0x11: {  	[smem:$0x3FB4] =	sst s9;
	s0 =	simm.s32 @!p0 $0x0  }
0x12: {  	s1 =	sld [smem:$0x3F9A];
	s0 =	simm.s32 @p0 $0x1  }
0x13: {  	[smem:$0x3FB5] =	sst s0;
	s0 =	simm.s32 @!p1 $0x0  }
0x14: {  	s2 =	sld [smem:$0x3F99];
	s0 =	simm.s32 @p1 $0x1  }
0x15: {  	[smem:$0x3FB6] =	sst s0;
	s0 =	simm.s32 @!p2 $0x0  }
0x16: {  	s3 =	sld [smem:$0x3FDB];
	s0 =	simm.s32 @p2 $0x1  }
0x17: {  	s4 =	simm.s32 $0x1BF5;
	[smem:$0x3FB8] =	sst s0  }
0x18: {  	s0 =	sld [smem:$0x3F9B];
	_ =	swait.ge [sflag:s4], $0x0  }
0x19: {  	s7 =	sld [smem:$0x3F9C]  }
0x1a: {  	s8 =	sadd.s32 $0xFFFFE003, lr  }
0x1b: {  	s9 =	sadd.s32 $0xFFFFFEF7, lr;
	s5 =	simm.s32 $0xFFFFFFFF;
	p2 =	slt.u32 s8, $0xFFFFF086  }
0x1c: {  	p1 =	slt.u32 s9, $0xF7A;
	s5 =	simm.s32 @!p2 $0x0  }
0x1d: {  	s5 =	simm.s32 @p1 $0x1;
	p0 =	seq.s32 s7, s2  }
0x1e: {  	s7 =	smul.u32 @!p0 $0xF7A, s2;
	p2 =	seq.s32 @!p0 s5, $0x0  }
0x1f: {  	s9 =	smul.u32 $0xF7A, s1;
	s8 =	simm.s32 @!p0 $0x1BF5;
	p2 =	por !p2, p0  }
0x20: {  	[sflag:s8] =	ssyncset.s32 @!p0 $0xFFFFF086;
	s6 =	sadd.s32 @!p0 s3, s7;
	s7 =	simm.s32 @!p0 $0x108  }
0x21: {  	s3 =	sadd.s32 s3, s9;
	s6 =	sadd.s32 @!p0 $0x88, s6;
	s7 =	simm.s32 @p2 $0x1082  }
0x22: {  	[simem:s7], [sflag:s8] =	dma.local @!p0 [hbm:s6], $0xF7A  }
0x23: {  	s9 =	sor.u32 $0xD0000000, s2;
	s6 =	simm.s32 $0x108;
	_ =	swait.ge @!p0 [sflag:s8], $0x0  }
0x24: {  	s3 =	sadd.s32 $0x88, s3;
	s6 =	simm.s32 @!p1 $0x1082;
	[sflag:s4] =	ssyncset.s32 $0xFFFFF086  }
0x25: {  	[simem:s6], [sflag:s4] =	dma.local [hbm:s3], $0xF7A  }
0x26: {  	[smem:$0x3F9C] =	sst s1;
	(tag) =	ssettag s2;
	_ =	strace s9  }
0x27: {  	s1 =	sld [smem:$0x3FAC]  }
0x28: {  	s2 =	sld [smem:$0x3FAD]  }
0x29: {  	s4 =	sld [smem:$0x3FAF]  }
0x2a: {  	p0 =	seq.s32 s5, $0x0;
	s5 =	sld [smem:$0x3FB0]  }
0x2b: {  	s6 =	sld [smem:$0x3FB1]  }
0x2c: {  	s7 =	sld [smem:$0x3FB2]  }
0x2d: {  	s3 =	simm.s32 $0x108;
	s8 =	sld [smem:$0x3FB3]  }
0x2e: {  	s3 =	simm.s32 @!p0 $0x1082;
	s9 =	sld [smem:$0x3FB4]  }
0x2f: {  	lr =	sadd.s32 s0, s3;
	s0 =	sld [smem:$0x3FAB]  }
0x30: {  	s3 =	sld [smem:$0x3FAE]  }
0x31: {  	[smem:$0x3FB7] =	sst s10  }
0x32: {  	s10 =	sld [smem:$0x3FB5];
	_ =	sdelay $0x3  }
0x33: {  	p0 =	seq.s32 s10, $0x1;
	s10 =	sld [smem:$0x3FB7];
	_ =	sdelay $0x3  }
0x34: {  	[smem:$0x3FB7] =	sst s10  }
0x35: {  	s10 =	sld [smem:$0x3FB6];
	_ =	sdelay $0x3  }
0x36: {  	p1 =	seq.s32 s10, $0x1;
	s10 =	sld [smem:$0x3FB7];
	_ =	sdelay $0x3  }
0x37: {  	[smem:$0x3FB7] =	sst s10  }
0x38: {  	s10 =	sld [smem:$0x3FB8]  }
0x39: {  	_ = 	snop;
	(pc) =	sbr.ind lr, $3  }
0x3a: {  	_ = 	snop  }
0x3b: {  	_ = 	snop  }
0x3c: {  	p2 =	seq.s32 s10, $0x1;
	s10 =	sld [smem:$0x3FB7]  }
0x3d: {  	_ =	shalt  }
0x3e: {  	_ =	shalt  }
0x3f: {  	_ =	shalt  }
0x40: {  	_ =	shalt  }
0x41: {  	_ =	shalt  }
0x42: {  	_ =	shalt  }
0x43: {  	_ =	shalt  }
0x44: {  	_ =	shalt  }
0x45: {  	_ =	shalt  }
0x46: {  	_ =	shalt  }
0x47: {  	_ =	shalt  }
0x48: {  	_ =	shalt  }
0x49: {  	_ =	shalt  }
0x4a: {  	_ =	shalt  }
0x4b: {  	_ =	shalt  }
0x4c: {  	_ =	shalt  }
0x4d: {  	_ =	shalt  }
0x4e: {  	_ =	shalt  }
0x4f: {  	_ =	shalt  }
0x50: {  	_ =	shalt  }
0x51: {  	_ =	shalt  }
0x52: {  	_ =	shalt  }
0x53: {  	_ =	shalt  }
0x54: {  	_ =	shalt  }
0x55: {  	_ =	shalt  }
0x56: {  	_ =	shalt  }
0x57: {  	_ =	shalt  }
0x58: {  	_ =	shalt  }
0x59: {  	_ =	shalt  }
0x5a: {  	_ =	shalt  }
0x5b: {  	_ =	shalt  }
0x5c: {  	_ =	shalt  }
0x5d: {  	_ =	shalt  }
0x5e: {  	_ =	shalt  }
0x5f: {  	_ =	shalt  }
0x60: {  	_ =	shalt  }
0x61: {  	_ =	shalt  }
0x62: {  	_ =	shalt  }
0x63: {  	_ =	shalt  }
0x64: {  	_ =	shalt  }
0x65: {  	_ =	shalt  }
0x66: {  	_ =	shalt  }
0x67: {  	_ =	shalt  }
0x68: {  	_ =	shalt  }
0x69: {  	_ =	shalt  }
0x6a: {  	_ =	shalt  }
0x6b: {  	_ =	shalt  }
0x6c: {  	_ =	shalt  }
0x6d: {  	_ =	shalt  }
0x6e: {  	_ =	shalt  }
0x6f: {  	_ =	shalt  }
0x70: {  	_ =	shalt  }
0x71: {  	_ =	shalt  }
0x72: {  	_ =	shalt  }
0x73: {  	_ =	shalt  }
0x74: {  	_ =	shalt  }
0x75: {  	_ =	shalt  }
0x76: {  	_ =	shalt  }
0x77: {  	_ =	shalt  }
0x78: {  	_ =	shalt  }
0x79: {  	_ =	shalt  }
0x7a: {  	_ =	shalt  }
0x7b: {  	_ =	shalt  }
0x7c: {  	_ =	shalt  }
0x7d: {  	_ =	shalt  }
0x7e: {  	_ =	shalt  }
0x7f: {  	_ =	shalt  }
0x80: {  	_ =	shalt  }
0x81: {  	_ =	shalt  }
0x82: {  	_ =	shalt  }
0x83: {  	_ =	shalt  }
0x84: {  	_ =	shalt  }
0x85: {  	_ =	shalt  }
0x86: {  	_ =	shalt  }
0x87: {  	_ =	shalt  }
.Lfunc_end0:
.L_simem_size_0:
called_computation_lowered:
.L_overlay_start_0:
0x88: {  	s2 =	sld [smem:$0x3FD9]  }
0x89: {  	s3 =	sld [smem:$0x3FFE];
	_ =	sdelay $0x1  }
0x8a: {  	s1 =	srdreg.scid  }
0x8b: {  	s0 =	sand.u32 $0x1, s1  }
0x8c: {  	s16 =	sshll.u32 s0, $0xA;
	s2 =	sadd.s32 s3, s2  }
0x8d: {  	s2 =	sadd.s32 s2, s16  }
0x8e: {  	[smem:$0x3FC3] =	sst s2  }
0x8f: {  	_ = 	snop  }
0x90: {  	(tm) =	ssettm $0x1  }
0x91: {  	s17 =	sld [smem:$0x3FFB];
	_ =	sdelay $0x3  }
0x92: {  	_ =	strace s17  }
0x93: {  	s2 =	sld [smem:$0x3FFC];
	_ =	sdelay $0x3  }
0x94: {  	_ =	strace s2  }
0x95: {  	s2 =	sld [smem:$0x3FFD];
	_ =	sdelay $0x3  }
0x96: {  	_ =	strace s2  }
0x97: {  	_ =	strace $0x8FFFFFFF  }
0x98: {  	s18 =	sld [smem:$0x3FDB];
	_ =	sdelay $0x1  }
0x99: {  	s19 =	simm.s32 $_scs_section_size  }
0x9a: {  	s4 =	simm.s32 $_size__tile_overlayer_lowered;
	s5 =	simm.s32 $_tile_overlayer_lowered  }
0x9b: {  	s22 =	simm.s32 $0x1BFF;
	s21 =	sshll.u32 s5, $0x1;
	s2 =	sadd.s32 s19, s18  }
0x9c: {  	s6 =	simm.s32 $0x0;
	s20 =	sshll.u32 s4, $0x1;
	s4 =	sadd.s32 s21, s2  }
0x9d: {  	[timem:s6], [sflag:s22] =	dma.local [hbm:s4], s20  }
0x9e: {  	_ =	swait.ge [sflag:s22], s20  }
0x9f: {  	s3 =	ssub.s32 $0x0, s20;
	[sflag:s22] =	ssyncset.done $0x0  }
0xa0: {  	[sflag:s22] =	ssyncadd.s32 s3;
	_ =	sdelay $0x1  }
0xa1: {  	s23 =	simm.s32 $0x1B8B  }
0xa2: {  	_ =	swait.ge [sflag:s23], $0x1  }
0xa3: {  	[sflag:s23] =	ssyncset.done $0x0  }
0xa4: {  	s25 =	simm.s32 $0x1B8E;
	s24 =	sld [smem:$0x3FFE];
	[sflag:s23] =	ssyncadd.s32 $0xFFFFFFFF  }
0xa5: {  	s26 =	simm.s32 $execute0_lowered;
	[smem:$0x3FD2] =	sst s25  }
0xa6: {  	s4 =	sshll.u32 s26, $0x1;
	_ =	strace $0x80000046;
	[dreg:$0x1] =	wrdreg $0xFFFFFFFF  }
0xa7: {  	s28 =	simm.s32 $_size_execute0_lowered;
	s2 =	sadd.s32 s2, s4;
	[dreg:$0x0] =	wrdreg $0x0  }
0xa8: {  	s4 =	sshll.u32 s28, $0x1;
	[dreg:$0x2] =	wrdreg s2  }
0xa9: {  	[dreg:$0x3] =	wrdreg s4  }
0xaa: {  	[dreg:$0x4] =	wrdreg $0xC0  }
0xab: {  	_ =	task [dreg:s6], $0x5FFFF  }
0xac: {  	[dreg:$0x1] =	wrdreg $0xFFFFFFFF  }
0xad: {  	[dreg:$0x0] =	wrdreg $0x60  }
0xae: {  	[dreg:$0x2] =	wrdreg s24  }
0xaf: {  	[dreg:$0x3] =	wrdreg $0x41000  }
0xb0: {  	[dreg:$0x4] =	wrdreg $0x9  }
0xb1: {  	_ =	task.clear_ibuf [dreg:s6], $0x5FFFF;
	_ =	strace $0x90000046  }
0xb2: {  	s29 =	simm.s32 $0x9;
	_ =	strace $0x80000048  }
0xb3: {  	_ =	swait.ge [sflag:s29], $0x1  }
0xb4: {  	[sflag:s29] =	ssyncadd.s32 $0xFFFFFFFF  }
0xb5: {  	_ =	strace $0x90000048  }
0xb6: {  	_ =	sfence  }
0xb7: {  	s30 =	sld [smem:$0x0];
	_ =	sdelay $0x2  }
0xb8: {  	s31 =	sshll.u32 s1, $0xD;
	s1 =	sshrl.u32 s1, $0x2  }
0xb9: {  	s3 =	sand.u32 $0x4000, s31;
	s1 =	sadd.s32 s1, s30  }
0xba: {  	s0 =	sor.u32 s3, s0;
	s1 =	sshll.u32 s1, $0x11  }
0xbb: {  	s0 =	sor.u32 s1, s0  }
0xbc: {  	s0 =	sadd.s32 $0x8F2B, s0  }
0xbd: {  	[sflag:s0] =	ssyncadd.remote.s32 $0x1  }
0xbe: {  	_ =	sfence.sel $0xFFFF  }
0xbf: {  	[dreg:$0x0] =	wrdreg $0xFFFFFFFF;
	(pc) =	sbr.abs _section_cstart, $3  }
0xc0: {  	[dreg:$0x1] =	wrdreg $0xFFFFFFFF  }
0xc1: {  	_ =	task.clear_ibuf [dreg:s6], $0x2FFFF;
	_ =	strace $0x9FFFFFFF  }
0xc2: {  	(tm) =	ssettm $0x7FFFFFFF  }
0xc3: {  	_ =	shalt  }
tec
execute0_lowered:
.L_overlay_start_1:
0x0: {  	(tag) =	ssettag $0x1  }
0x1: {  	s1 =	srdreg.scid;
	s4 =	rddreg [dreg:$0x0]  }
0x2: {  	s0 =	stileid.u32;
	s5 =	rddreg [dreg:$0x1];
	s11 =	simm.s32 $0x400  }
0x3: {  	s12 =	simm.s32 $0x3C00;
	s13 =	simm.s32 $0x100;
	s14 =	simm.s32 $0x3E80  }
0x4: {  	s15 =	simm.s32 $0x0;
	s3 =	sand.u32 $0x1, s1;
	s28 =	smul.u32 $0x2800, s0  }
0x5: {  	s1 =	rddreg [dreg:$0x2];
	s7 =	smul.u32 $0x500, s0;
	s29 =	sshrl.u32 s0, $0x3  }
0x6: {  	s30 =	smul.u32 $0x5000, s0;
	s31 =	sshll.u32 s0, $0x7;
	s8 =	sshll.u32 s3, $0x7  }
0x7: {  	s2 =	smul.u32 $0x1400, s3;
	s3 =	ssub.s32 $0x2, s3;
	s7 =	sor.u32 s8, s7  }
0x8: {  	s9 =	sshrl.u32 s3, $0x1;
	s8 =	smul.u32 $0x50000, s29;
	s10 =	sshrl.u32 s30, $0x2  }
0x9: {  	s6 =	sadd.s32 s2, s28;
	s2 =	simm.s32 $0x0;
	s7 =	sshrl.u32 s7, $0x3  }
0xa: {  	v0 =	vimm.s32 $0x73727170;
	s9 =	ssub.s32 s3, s9;
	s6 =	sadd.s32 $0x28000, s6;
	[smem:$0x7FF] =	sst s2  }
0xb: {  	v1 =	vimm.s32 $0x77767574;
	v0 =	vunpack.c.0.s8.s32 v0;
	s7 =	sadd.s32 s7, s4;
	s8 =	sshrl.u32 s8, $0x2;
	s6 =	sshrl.u32 s6, $0x3  }
0xc: {  	vm0 =	vcmask $0xF00;
	v2 =	vimm.s32 $0x7B7A7978;
	v1 =	vunpack.c.0.s8.s32 v1;
	_ =	strace $0x80000047;
	s8 =	sadd.s32 s8, s5;
	s6 =	sadd.s32 s6, s4  }
0xd: {  	vm14 =	vcmask $0x1F10;
	v2 =	vunpack.c.0.s8.s32 v2;
	v0 =	vnsel vm0, $0x7C, v0;
	s5 =	sadd.s32 s10, s5;
	s3 =	sadd.s32 $0x2000, s6;
	s6 =	sand.u32 $0x380, s31  }
0xe: {  	vm15 =	vcmask $0x2F20;
	v3 =	vsel vm14, v1, v0;
	s10 =	simm.s32 $0x80;
	s4 =	sadd.s32 s6, s8;
	s6 =	sadd.s32 $0xC000, s7  }
0xf: {  	v0 =	vimm.f32 $0.0e+00;
	v1 =	vimm.f32 $1.000000000e+00;
	v2 =	vsel vm15, v2, v3;
	s7 =	smax.u32 s9, $0x1;
	s8 =	simm.s32 $0x1;
	s9 =	simm.s32 $0x1400  }
.LBB2_1:
0x10: {  	[tilespmem:s2], [sflag:$0x1] =	stream.linear.gather [hbm4b:s3+s2], $0x1400, $0x38;
	[tilespmem:$0x6900] =	vst v63  }
0x11: {  	_ =	swait.ge [sflag:s8], $0x1400  }
0x12: {  	[sflag:s8] =	ssyncset.done $0x0  }
0x13: {  	s16 =	simm.s32 $0x0;
	[sflag:s8] =	ssyncadd.s32 $0xFFFFEC00  }
.LBB2_2:
0x14: {  	p0 =	sne.s32 s16, $0x9FC0  }
.Ltmp0:
0x15: {  	_ = 	snop;
	(pc) =	sbr.rel @p0 .LBB2_2-.Ltmp0, $3  }
0x16: {  	_ =	sdelay $0x1  }
0x17: {  	s17 =	sshra.s32 s16, $0x2  }
0x18: {  	s16 =	sadd.s32 $0x40, s16;
	[tilespmem:s17+$0x1400] =	vst v0  }
0x19: {  	s16 =	simm.s32 $0x0;
	s17 =	simm.s32 $0x30  }
.LBB2_4:
0x1a: {  	v3 =	vld [tilespmem:s17+$0xFFFFFFD0];
	_ =	sdelay $0x7  }
0x1b: {  	[tilespmem:v3+s9+$0x0] =	vst.idx.add.f32.msk $0xffff, v1  }
0x1c: {  	v3 =	vld [tilespmem:s17+$0xFFFFFFE0];
	_ =	sdelay $0x7  }
0x1d: {  	[tilespmem:v3+s9+$0x0] =	vst.idx.add.f32.msk $0xffff, v1  }
0x1e: {  	v3 =	vld [tilespmem:s17+$0xFFFFFFF0];
	_ =	sdelay $0x7  }
0x1f: {  	[tilespmem:v3+s9+$0x0] =	vst.idx.add.f32.msk $0xffff, v1  }
0x20: {  	v3 =	vld [tilespmem:s17+$0x0];
	_ =	sdelay $0x7  }
0x21: {  	[tilespmem:v3+s9+$0x0] =	vst.idx.add.f32.msk $0xffff, v1  }
0x22: {  	v3 =	vld [tilespmem:s17+$0x10];
	_ =	sdelay $0x7  }
0x23: {  	[tilespmem:v3+s9+$0x0] =	vst.idx.add.f32.msk $0xffff, v1  }
0x24: {  	v3 =	vld [tilespmem:s17+$0x20];
	_ =	sdelay $0x7  }
0x25: {  	[tilespmem:v3+s9+$0x0] =	vst.idx.add.f32.msk $0xffff, v1  }
0x26: {  	v3 =	vld [tilespmem:s17+$0x30];
	_ =	sdelay $0x2  }
0x27: {  	s18 =	sshll.u32 s16, $0x7  }
0x28: {  	v4 =	vor.u32 s18, v2;
	_ =	sdelay $0x3  }
0x29: {  	[tilespmem:v3+s9+$0x0] =	vst.idx.add.f32.msk $0xffff, v1  }
0x2a: {  	v3 =	vld.idx.msk [tilespmem:v4+s2+$0x0], $0xffff;
	_ =	sdelay $0x2  }
0x2b: {  	p0 =	sne.s32 s16, $0x27  }
.Ltmp1:
0x2c: {  	_ = 	snop;
	(pc) =	sbr.rel @p0 .LBB2_4-.Ltmp1, $2  }
0x2d: {  	_ =	sdelay $0x2  }
0x2e: {  	s16 =	sadd.s32 $0x1, s16;
	s17 =	sadd.s32 $0x80, s17;
	[tilespmem:v3+s9+$0x0] =	vst.idx.add.f32.msk $0x1fff, v1  }
0x2f: {  	[spmem:s4] =	stream.strided.scatter [tilespmem:s9], [sflag:$0x1], $0x2800, s11, s10, $0x38;
	[tilespmem:$0x6900] =	vst v63  }
0x30: {  	_ =	swait.ge [sflag:s8], $0x2800  }
0x31: {  	[sflag:s8] =	ssyncset.done $0x0  }
0x32: {  	[sflag:s8] =	ssyncadd.s32 $0xFFFFD800  }
0x33: {  	[bflag:$0x0] =	sbarrier.arrive $0xFFFF  }
0x34: {  	[tilespmem:$0x3E80] =	vst v0  }
0x35: {  	[tilespmem:$0x3E90] =	vst v0  }
0x36: {  	[tilespmem:$0x3EA0] =	vst v0  }
0x37: {  	[tilespmem:$0x3EB0] =	vst v0  }
0x38: {  	[tilespmem:$0x3EC0] =	vst v0  }
0x39: {  	[tilespmem:$0x3ED0] =	vst v0  }
0x3a: {  	[tilespmem:$0x3EE0] =	vst v0  }
0x3b: {  	[tilespmem:$0x3EF0] =	vst v0  }
0x3c: {  	[tilespmem:$0x3F00] =	vst v0  }
0x3d: {  	[tilespmem:$0x3F10] =	vst v0  }
0x3e: {  	[tilespmem:$0x3F20] =	vst v0  }
0x3f: {  	[tilespmem:$0x3F30] =	vst v0  }
0x40: {  	[tilespmem:$0x3F40] =	vst v0  }
0x41: {  	[tilespmem:$0x3F50] =	vst v0  }
0x42: {  	[tilespmem:$0x3F60] =	vst v0  }
0x43: {  	[tilespmem:$0x3F70] =	vst v0  }
0x44: {  	[tilespmem:$0x3F80] =	vst v0  }
0x45: {  	[tilespmem:$0x3F90] =	vst v0  }
0x46: {  	[tilespmem:$0x3FA0] =	vst v0  }
0x47: {  	[tilespmem:$0x3FB0] =	vst v0  }
0x48: {  	[tilespmem:$0x3FC0] =	vst v0  }
0x49: {  	[tilespmem:$0x3FD0] =	vst v0  }
0x4a: {  	[tilespmem:$0x3FE0] =	vst v0  }
0x4b: {  	[tilespmem:$0x3FF0] =	vst v0  }
0x4c: {  	[tilespmem:$0x4000] =	vst v0  }
0x4d: {  	[tilespmem:$0x4010] =	vst v0  }
0x4e: {  	[tilespmem:$0x4020] =	vst v0  }
0x4f: {  	[tilespmem:$0x4030] =	vst v0  }
0x50: {  	[tilespmem:$0x4040] =	vst v0  }
0x51: {  	[tilespmem:$0x4050] =	vst v0  }
0x52: {  	[tilespmem:$0x4060] =	vst v0  }
0x53: {  	[tilespmem:$0x4070] =	vst v0  }
0x54: {  	[tilespmem:$0x4080] =	vst v0  }
0x55: {  	[tilespmem:$0x4090] =	vst v0  }
0x56: {  	[tilespmem:$0x40A0] =	vst v0  }
0x57: {  	[tilespmem:$0x40B0] =	vst v0  }
0x58: {  	[tilespmem:$0x40C0] =	vst v0  }
0x59: {  	[tilespmem:$0x40D0] =	vst v0  }
0x5a: {  	[tilespmem:$0x40E0] =	vst v0  }
0x5b: {  	s16 =	simm.s32 $0x0;
	[tilespmem:$0x40F0] =	vst v0  }
.LBB2_6:
0x5c: {  	s17 =	sshrl.u32 s16, $0x3  }
0x5d: {  	s17 =	smul.u32 $0x50000, s17;
	_ =	sdelay $0x1  }
0x5e: {  	s18 =	sshll.u32 s16, $0x7;
	s17 =	sshra.s32 s17, $0x2  }
0x5f: {  	s18 =	sand.u32 $0x380, s18;
	s17 =	sadd.s32 s17, s5  }
0x60: {  	s17 =	sadd.s32 s18, s17  }
0x61: {  	[tilespmem:s12], [sflag:$0x1] =	stream.strided.gather [spmem:s17], $0x280, s11, s10, $0x38;
	[tilespmem:$0x6900] =	vst v63  }
0x62: {  	_ =	swait.ge [sflag:s8], $0x280  }
0x63: {  	[sflag:s8] =	ssyncset.done $0x0  }
0x64: {  	s17 =	simm.s32 $0x0;
	[sflag:s8] =	ssyncadd.s32 $0xFFFFFD80  }
0x65: {  	s18 =	simm.s32 $0x40;
	v3 =	vld [tilespmem:s17+$0x3C00]  }
.LBB2_7:
0x66: {  	p0 =	sne.s32 s18, $0x9C0;
	v4 =	vld [tilespmem:s17+$0x3E80];
	_ =	sdelay $0x2  }
.Ltmp2:
0x67: {  	(pc) =	sbr.rel @p0 .LBB2_7-.Ltmp2, $4  }
0x68: {  	_ = 	snop  }
0x69: {  	v4 =	vadd.f32 v3, v4  }
0x6a: {  	s19 =	sshra.s32 s18, $0x2  }
0x6b: {  	s18 =	sadd.s32 $0x40, s18;
	v3 =	vld [tilespmem:s19+$0x3C00];
	[tilespmem:s17+$0x3E80] =	vst v4;
	s17 =	smov.u32 s19  }
0x6c: {  	v4 =	vld [tilespmem:s17+$0x3E80]  }
0x6d: {  	s16 =	sadd.s32 $0x1, s16  }
0x6e: {  	p0 =	sne.s32 s16, $0x10  }
.Ltmp3:
0x6f: {  	_ = 	snop;
	(pc) =	sbr.rel @p0 .LBB2_6-.Ltmp3, $3  }
0x70: {  	_ = 	snop  }
0x71: {  	v3 =	vadd.f32 v3, v4;
	_ =	sdelay $0x1  }
0x72: {  	[tilespmem:s17+$0x3E80] =	vst v3  }
0x73: {  	s15 =	sadd.s32 $0x1, s15  }
0x74: {  	p0 =	sne.s32 s15, s7  }
.Ltmp4:
0x75: {  	_ = 	snop;
	(pc) =	sbr.rel @p0 .LBB2_1-.Ltmp4, $4  }
0x76: {  	[hbm4b:s6+s10] =	stream.strided.scatter [tilespmem:s14], [sflag:$0x1], $0x280, s13, s10, $0x38;
	[tilespmem:$0x6900] =	vst v63  }
0x77: {  	_ =	swait.ge [sflag:s8], $0x280  }
0x78: {  	[sflag:s8] =	ssyncset.done $0x0  }
0x79: {  	[sflag:s8] =	ssyncadd.s32 $0xFFFFFD80  }
0x7a: {  	_ =	sfence.sel $0x180000  }
0x7b: {  	[bflag:$0x0] =	sbarrier.arrive $0xFFFF  }
0x7c: {  	p0 =	sne.s32 s0, $0x0;
	_ =	strace $0x90000047  }
0x7d: {  	s0 =	sadd.s32 @!p0 $0x100000, s1;
	[bflag:$0x2] =	sbarrier.arrive $0xFFFF  }
0x7e: {  	[sflag:s0] =	ssyncadd.tile.s32 @!p0 $0x1;
	_ =	shalt  }
.Lfunc_end2:
_tile_overlayer_lowered:
.L_overlay_start_2:
0x7f: {  	(tag) =	ssettag $0x2  }
0x80: {  	s0 =	rddreg [dreg:$0x0];
	s2 =	stileid.u32  }
0x81: {  	s1 =	rddreg [dreg:$0x1];
	p0 =	sne.s32 s2, $0x0  }
0x82: {  	s3 =	rddreg [dreg:$0x2];
	[bflag:$0x3] =	sbarrier.arrive $0xFFFF;
	s2 =	simm.s32 @!p0 $0x1C01  }
0x83: {  	[timem:s3], [sflag:s2] =	dma.local @!p0 [hbm:s0], s1  }
0x84: {  	s0 =	simm.s32 @!p0 $0x1  }
0x85: {  	_ =	swait.ge @!p0 [sflag:s0], s1  }
0x86: {  	s1 =	ssub.s32 @!p0 $0x0, s1;
	[sflag:s0] =	ssyncset.done @!p0 $0x0  }
0x87: {  	[sflag:s0] =	ssyncadd.s32 @!p0 s1  }
0x88: {  	[bflag:$0x3] =	sbarrier.arrive $0xFFFF  }
0x89: {  	_ =	shalt  }

</sc_bundles>
